<compile_context>
chip_gen: v7x
topology: tpu7x:2x2x1
jax: 0.10.2.dev20260603
libtpu: 0.0.44.dev20260713+nightly
codegen_flags: <defaults>
</compile_context>

<pallas_src>
import math

import jax
import jax.numpy as jnp
from jax import lax
from jax.experimental import pallas as pl
from jax.experimental.pallas import tpu as pltpu
from jax.experimental.pallas import tpu_sc as plsc

N = 16384
RATIO = 0.1
K = 5
M = math.ceil(RATIO * N)
ROWS = 128
COLS = N // ROWS
CBLK = 128
NBLK = (M + CBLK - 1) // CBLK
MPAD = NBLK * CBLK
GTOT = M * K
GCHUNK = 128
NCH = (GTOT + GCHUNK - 1) // GCHUNK
GPAD = NCH * GCHUNK
NWORK = 32


def _fpsknn_body(px_ref, py_ref, pz_ref, pxs_ref, pys_ref, pzs_ref,
                 px1_ref, py1_ref, pz1_ref,
                 idx_out, nbr_out, d2_ref, cen_ref, lin_ref):
    b = pl.program_id(0)

    @pl.when(b == 0)
    def _fps():
        px = px_ref[...]
        py = py_ref[...]
        pz = pz_ref[...]
        cen_ref[...] = jnp.zeros((3, 16, COLS), jnp.float32)
        lane = lax.broadcasted_iota(jnp.int32, (1, COLS), 1)
        cx0 = px[0, 0]
        cy0 = py[0, 0]
        cz0 = pz[0, 0]
        idx_out[0] = jnp.int32(0)
        lm0 = lane == 0
        cen_ref[0, pl.ds(0, 1), :] = jnp.where(lm0, cx0, 0.0)
        cen_ref[1, pl.ds(0, 1), :] = jnp.where(lm0, cy0, 0.0)
        cen_ref[2, pl.ds(0, 1), :] = jnp.where(lm0, cz0, 0.0)
        dx = px - cx0
        dy = py - cy0
        dz = pz - cz0
        d0 = dx * dx + dy * dy + dz * dz

        def padbody(i, carry):
            idx_out[i] = jnp.int32(0)
            return carry

        lax.fori_loop(M, MPAD, padbody, jnp.int32(0))
        lin_ref[...] = (lax.broadcasted_iota(jnp.int32, (ROWS, COLS), 0) * COLS
                        + lax.broadcasted_iota(jnp.int32, (ROWS, COLS), 1)
                        ).astype(jnp.float32)

        def body(i, d):
            va = d
            ia = lin_ref[...]
            size = ROWS
            while size > 1:
                h = size // 2
                va1, va2 = va[:h], va[h:]
                ia1, ia2 = ia[:h], ia[h:]
                win = (va1 > va2) | ((va1 == va2) & (ia1 < ia2))
                va = jnp.where(win, va1, va2)
                ia = jnp.where(win, ia1, ia2)
                size = h
            mxk = jnp.max(va, axis=1, keepdims=True)
            cand = jnp.where(va == mxk, ia, jnp.float32(3.0e7))
            nxt = jnp.min(cand).astype(jnp.int32)
            idx_out[i] = nxt
            cx = pxs_ref[nxt]
            cy = pys_ref[nxt]
            cz = pzs_ref[nxt]
            row = i >> 7
            lm = lane == (i & 127)
            cen_ref[0, pl.ds(row, 1), :] = jnp.where(
                lm, cx, cen_ref[0, pl.ds(row, 1), :])
            cen_ref[1, pl.ds(row, 1), :] = jnp.where(
                lm, cy, cen_ref[1, pl.ds(row, 1), :])
            cen_ref[2, pl.ds(row, 1), :] = jnp.where(
                lm, cz, cen_ref[2, pl.ds(row, 1), :])
            ddx = px_ref[...] - cx
            ddy = py_ref[...] - cy
            ddz = pz_ref[...] - cz
            dd = ddx * ddx + ddy * ddy + ddz * ddz
            return jnp.minimum(d, dd)

        lax.fori_loop(1, M, body, d0)

    @pl.when(b > 0)
    def _knn():
        bb = b - 1
        cx = jnp.reshape(cen_ref[0, pl.ds(bb, 1), :], (CBLK, 1))
        cy = jnp.reshape(cen_ref[1, pl.ds(bb, 1), :], (CBLK, 1))
        cz = jnp.reshape(cen_ref[2, pl.ds(bb, 1), :], (CBLK, 1))
        px = px1_ref[...]
        py = py1_ref[...]
        pz = pz1_ref[...]
        dx = cx - px
        dy = cy - py
        dz = cz - pz
        d2v = dx * dx + dy * dy + dz * dz
        mv = jnp.min(d2v, axis=1, keepdims=True)

        iotaf = lax.broadcasted_iota(jnp.int32, (CBLK, N), 1).astype(jnp.float32)
        li = lax.broadcasted_iota(jnp.int32, (CBLK, 8), 1)
        acc = jnp.zeros((CBLK, 8), jnp.int32)
        for k in range(K):
            d2 = d2v if k == 0 else d2_ref[...]
            cand = jnp.where(d2 == mv, iotaf, jnp.float32(3.0e7))
            ikf = jnp.min(cand, axis=1, keepdims=True)
            acc = jnp.where(li == k, ikf.astype(jnp.int32), acc)
            if k < K - 1:
                masked = jnp.where(iotaf == ikf, jnp.float32(jnp.inf), d2)
                d2_ref[...] = masked
                mv = jnp.min(masked, axis=1, keepdims=True)
        nbr_out[0] = acc


def _fpsknn_call(pxm, pym, pzm, pxs, pys, pzs, px1, py1, pz1):
    full2 = pl.BlockSpec((ROWS, COLS), lambda b: (0, 0))
    pts_spec = pl.BlockSpec((1, N), lambda b: (0, 0))
    out_shape = [
        jax.ShapeDtypeStruct((MPAD,), jnp.int32),
        jax.ShapeDtypeStruct((NBLK, CBLK, 8), jnp.int32),
    ]
    return pl.pallas_call(
        _fpsknn_body,
        grid=(1 + NBLK,),
        in_specs=[
            full2, full2, full2,
            pl.BlockSpec(memory_space=pltpu.SMEM),
            pl.BlockSpec(memory_space=pltpu.SMEM),
            pl.BlockSpec(memory_space=pltpu.SMEM),
            pts_spec, pts_spec, pts_spec,
        ],
        out_specs=[
            pl.BlockSpec(memory_space=pltpu.SMEM),
            pl.BlockSpec((1, CBLK, 8),
                         lambda b: (jnp.maximum(b - 1, 0), 0, 0)),
        ],
        out_shape=out_shape,
        scratch_shapes=[
            pltpu.VMEM((CBLK, N), jnp.float32),
            pltpu.VMEM((3, 16, COLS), jnp.float32),
            pltpu.VMEM((ROWS, COLS), jnp.float32),
        ],
    )(pxm, pym, pzm, pxs, pys, pzs, px1, py1, pz1)


CCH = MPAD // GCHUNK
TCH = CCH + NCH


def _gather_body(cidx_hbm, gidx_hbm, tx_hbm, ty_hbm, tz_hbm,
                 cx_hbm, cy_hbm, cz_hbm, gx_hbm, gy_hbm, gz_hbm,
                 idx_v, row_v, sem):
    wid = lax.axis_index("s") * 2 + lax.axis_index("c")

    def do_chunk(idx_hbm, outs, c):
        base = c * GCHUNK
        pltpu.sync_copy(idx_hbm.at[pl.ds(base, GCHUNK)], idx_v)
        for t_hbm, o_hbm in zip((tx_hbm, ty_hbm, tz_hbm), outs):
            pltpu.async_copy(t_hbm.at[idx_v], row_v, sem).wait()
            pltpu.sync_copy(row_v, o_hbm.at[pl.ds(base, GCHUNK)])

    for r in range((TCH + NWORK - 1) // NWORK):
        c = wid + r * NWORK

        @pl.when(c < CCH)
        def _():
            do_chunk(cidx_hbm, (cx_hbm, cy_hbm, cz_hbm), c)

        @pl.when((c >= CCH) & (c < TCH))
        def _():
            do_chunk(gidx_hbm, (gx_hbm, gy_hbm, gz_hbm), c - CCH)


def _gather_call(cidx, gidx, px, py, pz):
    mesh = plsc.VectorSubcoreMesh(core_axis_name="c", subcore_axis_name="s")
    f = pl.kernel(
        _gather_body,
        out_type=[jax.ShapeDtypeStruct((MPAD,), jnp.float32)] * 3
        + [jax.ShapeDtypeStruct((GPAD,), jnp.float32)] * 3,
        mesh=mesh,
        scratch_types=[
            pltpu.VMEM((GCHUNK,), jnp.int32),
            pltpu.VMEM((GCHUNK,), jnp.float32),
            pltpu.SemaphoreType.DMA,
        ],
    )
    return f(cidx, gidx, px, py, pz)


def kernel(x, pos, batch):
    px = pos[:, 0]
    py = pos[:, 1]
    pz = pos[:, 2]
    pxm = px.reshape(ROWS, COLS)
    pym = py.reshape(ROWS, COLS)
    pzm = pz.reshape(ROWS, COLS)

    fps_idx, nbr8 = _fpsknn_call(pxm, pym, pzm, px, py, pz,
                                 px.reshape(1, N), py.reshape(1, N),
                                 pz.reshape(1, N))
    gidx = nbr8[:, :, :K].reshape(GPAD)

    ccx, ccy, ccz, ggx, ggy, ggz = _gather_call(fps_idx, gidx, px, py, pz)
    centroids = jnp.stack([ccx[:M], ccy[:M], ccz[:M]], axis=1)
    groups = jnp.stack([ggx[:GTOT], ggy[:GTOT], ggz[:GTOT]], axis=1)
    return centroids, groups

# --- scband reference (transcript-rebuilt; emitter-appended) ---
"""Pipeline reference for scband-fpsknngroup-12781822673371 (READ-ONLY COPY).

The authoritative reference and input builder live on the scoring server;
editing this copy changes nothing except your own understanding.
"""

import jax, jax.numpy as jnp
import numpy as np
import math

RATIO = 0.1
K = 5
N = 16384


def setup_inputs(seed: int = 0) -> dict:
    key = jax.random.key(seed)
    k1, k2 = jax.random.split(key)
    x = jax.random.normal(k1, (N, 64), dtype=jnp.float32)
    pos = jax.random.normal(k2, (N, 3), dtype=jnp.float32)
    batch = jnp.zeros((N,), dtype=jnp.int32)  # single point cloud
    return {"x": x, "pos": pos, "batch": batch}


def _fps(pos, m):
    # deterministic farthest point sampling starting at index 0
    n = pos.shape[0]
    start = jnp.int32(0)
    d = jnp.sum((pos - pos[start]) ** 2, axis=-1)  # (n,)
    idxs = jnp.zeros((m,), dtype=jnp.int32).at[0].set(start)

    def body(i, state):
        idxs, d = state
        nxt = jnp.argmax(d).astype(jnp.int32)
        idxs = idxs.at[i].set(nxt)
        d = jnp.minimum(d, jnp.sum((pos - pos[nxt]) ** 2, axis=-1))
        return (idxs, d)

    idxs, _ = jax.lax.fori_loop(1, m, body, (idxs, d))
    return idxs


def reference(x, pos, batch):
    # x: (N, F) unused by forward (matches the torch module)
    n = pos.shape[0]
    m = math.ceil(RATIO * n)
    pos_sg = jax.lax.stop_gradient(pos)
    fps_idx = _fps(pos_sg, m)              # (m,)  fps indices (non-differentiable)
    centroids = pos[fps_idx]               # (m, 3) gather -> differentiable w.r.t. pos
    # knn: for each centroid find K nearest points in pos (same single batch)
    cen_sg = pos_sg[fps_idx]
    d2 = jnp.sum((cen_sg[:, None, :] - pos_sg[None, :, :]) ** 2, axis=-1)  # (m, n)
    _, nbr = jax.lax.top_k(-d2, K)         # (m, K) neighbor indices into pos
    groups = pos[nbr.reshape(-1)]          # (m*K, 3)
    return (centroids, groups)

if __name__ == "__main__":
    import jax
    _d = setup_inputs()
    print(jax.jit(kernel)(*tuple(_d.values())))

</pallas_src>

<mosaic_0001>
#map = affine_map<(d0, d1) -> (0)>
module attributes {stable_mosaic.version = 14 : i64} {
  func.func @_gather_body(%arg0: i32, %arg1: i32, %arg2: memref<1664xi32, #tpu.memory_space<hbm>>, %arg3: memref<8320xi32, #tpu.memory_space<hbm>>, %arg4: memref<16384xf32, #tpu.memory_space<hbm>>, %arg5: memref<16384xf32, #tpu.memory_space<hbm>>, %arg6: memref<16384xf32, #tpu.memory_space<hbm>>, %arg7: memref<1664xf32, #tpu.memory_space<hbm>>, %arg8: memref<1664xf32, #tpu.memory_space<hbm>>, %arg9: memref<1664xf32, #tpu.memory_space<hbm>>, %arg10: memref<8320xf32, #tpu.memory_space<hbm>>, %arg11: memref<8320xf32, #tpu.memory_space<hbm>>, %arg12: memref<8320xf32, #tpu.memory_space<hbm>>, %arg13: memref<128xi32, #tpu.memory_space<vmem>>, %arg14: memref<128xf32, #tpu.memory_space<vmem>>, %arg15: memref<!tpu.dma_semaphore, #tpu.memory_space<semaphore_mem>>) attributes {dimension_semantics = [#tpu.dimension_semantics<core_parallel>, #tpu.dimension_semantics<subcore_parallel>], iteration_bounds = array<i64: 2, 16>, scalar_prefetch = 0 : i64, scratch_operands = 3 : i64, tpu.core_type = #tpu.core_type<sc_vector_subcore>, window_params = [{transform_indices = #map}, {transform_indices = #map}, {transform_indices = #map}, {transform_indices = #map}, {transform_indices = #map}, {transform_indices = #map}, {transform_indices = #map}, {transform_indices = #map}, {transform_indices = #map}, {transform_indices = #map}, {transform_indices = #map}]} {
    %mul3A = arith.constant 2 : i32
    %mul3A_0 = arith.muli %arg1, %mul3A : i32
    %add3A = arith.addi %mul3A_0, %arg0 : i32
    %add3A_1 = arith.constant 0 : i32
    %add3A_2 = arith.addi %add3A, %add3A_1 : i32
    %lt3A = arith.constant 13 : i32
    %lt3A_3 = arith.cmpi slt, %add3A_2, %lt3A : i32
    %convert_element_type3A = arith.extui %lt3A_3 : i1 to i32
    %cond3A = arith.constant 0 : i32
    %cond3A_4 = arith.cmpi ne, %convert_element_type3A, %cond3A : i32
    scf.if %cond3A_4 {
      %mul3A_41 = arith.constant 128 : i32
      %mul3A_42 = arith.muli %add3A_2, %mul3A_41 : i32
      "tpu.region"() ({
        %run_scoped3A = tpu.sem_alloc : memref<!tpu.dma_semaphore, #tpu.memory_space<semaphore_mem>>
        %dma_start3A_53 = tpu.memref_slice %arg2[%mul3A_42] : memref<1664xi32, #tpu.memory_space<hbm>> -> memref<128xi32, #tpu.memory_space<hbm>>
        %dma_start3A_54 = tpu.memref_slice %arg2[%mul3A_42] : memref<1664xi32, #tpu.memory_space<hbm>> -> memref<128xi32, #tpu.memory_space<hbm>>
        tpu.enqueue_dma source(%dma_start3A_54 : memref<128xi32, #tpu.memory_space<hbm>>) target(%arg13 : memref<128xi32, #tpu.memory_space<vmem>>) target_semaphore(%run_scoped3A : memref<!tpu.dma_semaphore, #tpu.memory_space<semaphore_mem>>)
        %dma_wait3A_55 = tpu.memref_slice %arg2[%mul3A_42] : memref<1664xi32, #tpu.memory_space<hbm>> -> memref<128xi32, #tpu.memory_space<hbm>>
        %dma_wait3A_56 = tpu.memref_slice %arg2[%mul3A_42] : memref<1664xi32, #tpu.memory_space<hbm>> -> memref<128xi32, #tpu.memory_space<hbm>>
        tpu.wait_dma2 semaphore(%run_scoped3A : memref<!tpu.dma_semaphore, #tpu.memory_space<semaphore_mem>>) src(%dma_wait3A_56 : memref<128xi32, #tpu.memory_space<hbm>>) dst(%arg13 : memref<128xi32, #tpu.memory_space<vmem>>)
        tpu.yield
      }) : () -> ()
      %dma_start3A = arith.constant 0 : i32
      %dma_start3A_43 = tpu.memref_slice %arg4[%dma_start3A] : memref<16384xf32, #tpu.memory_space<hbm>> -> memref<16384xf32, #tpu.memory_space<hbm>>
      tpu.enqueue_indirect_dma source(%dma_start3A_43 : memref<16384xf32, #tpu.memory_space<hbm>>) target(%arg14 : memref<128xf32, #tpu.memory_space<vmem>>) offsets(%arg13 : memref<128xi32, #tpu.memory_space<vmem>>) semaphore(%arg15 : memref<!tpu.dma_semaphore, #tpu.memory_space<semaphore_mem>>)
      %dma_wait3A = arith.constant 0 : i32
      %dma_wait3A_44 = tpu.memref_slice %arg4[%dma_wait3A] : memref<16384xf32, #tpu.memory_space<hbm>> -> memref<16384xf32, #tpu.memory_space<hbm>>
      tpu.wait_indirect_dma semaphore(%arg15 : memref<!tpu.dma_semaphore, #tpu.memory_space<semaphore_mem>>) src(%dma_wait3A_44 : memref<16384xf32, #tpu.memory_space<hbm>>) dst(%arg14 : memref<128xf32, #tpu.memory_space<vmem>>)
      "tpu.region"() ({
        %run_scoped3A = tpu.sem_alloc : memref<!tpu.dma_semaphore, #tpu.memory_space<semaphore_mem>>
        %dma_start3A_53 = tpu.memref_slice %arg7[%mul3A_42] : memref<1664xf32, #tpu.memory_space<hbm>> -> memref<128xf32, #tpu.memory_space<hbm>>
        %dma_start3A_54 = tpu.memref_slice %arg7[%mul3A_42] : memref<1664xf32, #tpu.memory_space<hbm>> -> memref<128xf32, #tpu.memory_space<hbm>>
        tpu.enqueue_dma source(%arg14 : memref<128xf32, #tpu.memory_space<vmem>>) target(%dma_start3A_54 : memref<128xf32, #tpu.memory_space<hbm>>) target_semaphore(%run_scoped3A : memref<!tpu.dma_semaphore, #tpu.memory_space<semaphore_mem>>)
        %dma_wait3A_55 = tpu.memref_slice %arg7[%mul3A_42] : memref<1664xf32, #tpu.memory_space<hbm>> -> memref<128xf32, #tpu.memory_space<hbm>>
        %dma_wait3A_56 = tpu.memref_slice %arg7[%mul3A_42] : memref<1664xf32, #tpu.memory_space<hbm>> -> memref<128xf32, #tpu.memory_space<hbm>>
        tpu.wait_dma2 semaphore(%run_scoped3A : memref<!tpu.dma_semaphore, #tpu.memory_space<semaphore_mem>>) src(%arg14 : memref<128xf32, #tpu.memory_space<vmem>>) dst(%dma_wait3A_56 : memref<128xf32, #tpu.memory_space<hbm>>)
        tpu.yield
      }) : () -> ()
      %dma_start3A_45 = arith.constant 0 : i32
      %dma_start3A_46 = tpu.memref_slice %arg5[%dma_start3A_45] : memref<16384xf32, #tpu.memory_space<hbm>> -> memref<16384xf32, #tpu.memory_space<hbm>>
      tpu.enqueue_indirect_dma source(%dma_start3A_46 : memref<16384xf32, #tpu.memory_space<hbm>>) target(%arg14 : memref<128xf32, #tpu.memory_space<vmem>>) offsets(%arg13 : memref<128xi32, #tpu.memory_space<vmem>>) semaphore(%arg15 : memref<!tpu.dma_semaphore, #tpu.memory_space<semaphore_mem>>)
      %dma_wait3A_47 = arith.constant 0 : i32
      %dma_wait3A_48 = tpu.memref_slice %arg5[%dma_wait3A_47] : memref<16384xf32, #tpu.memory_space<hbm>> -> memref<16384xf32, #tpu.memory_space<hbm>>
      tpu.wait_indirect_dma semaphore(%arg15 : memref<!tpu.dma_semaphore, #tpu.memory_space<semaphore_mem>>) src(%dma_wait3A_48 : memref<16384xf32, #tpu.memory_space<hbm>>) dst(%arg14 : memref<128xf32, #tpu.memory_space<vmem>>)
      "tpu.region"() ({
        %run_scoped3A = tpu.sem_alloc : memref<!tpu.dma_semaphore, #tpu.memory_space<semaphore_mem>>
        %dma_start3A_53 = tpu.memref_slice %arg8[%mul3A_42] : memref<1664xf32, #tpu.memory_space<hbm>> -> memref<128xf32, #tpu.memory_space<hbm>>
        %dma_start3A_54 = tpu.memref_slice %arg8[%mul3A_42] : memref<1664xf32, #tpu.memory_space<hbm>> -> memref<128xf32, #tpu.memory_space<hbm>>
        tpu.enqueue_dma source(%arg14 : memref<128xf32, #tpu.memory_space<vmem>>) target(%dma_start3A_54 : memref<128xf32, #tpu.memory_space<hbm>>) target_semaphore(%run_scoped3A : memref<!tpu.dma_semaphore, #tpu.memory_space<semaphore_mem>>)
        %dma_wait3A_55 = tpu.memref_slice %arg8[%mul3A_42] : memref<1664xf32, #tpu.memory_space<hbm>> -> memref<128xf32, #tpu.memory_space<hbm>>
        %dma_wait3A_56 = tpu.memref_slice %arg8[%mul3A_42] : memref<1664xf32, #tpu.memory_space<hbm>> -> memref<128xf32, #tpu.memory_space<hbm>>
        tpu.wait_dma2 semaphore(%run_scoped3A : memref<!tpu.dma_semaphore, #tpu.memory_space<semaphore_mem>>) src(%arg14 : memref<128xf32, #tpu.memory_space<vmem>>) dst(%dma_wait3A_56 : memref<128xf32, #tpu.memory_space<hbm>>)
        tpu.yield
      }) : () -> ()
      %dma_start3A_49 = arith.constant 0 : i32
      %dma_start3A_50 = tpu.memref_slice %arg6[%dma_start3A_49] : memref<16384xf32, #tpu.memory_space<hbm>> -> memref<16384xf32, #tpu.memory_space<hbm>>
      tpu.enqueue_indirect_dma source(%dma_start3A_50 : memref<16384xf32, #tpu.memory_space<hbm>>) target(%arg14 : memref<128xf32, #tpu.memory_space<vmem>>) offsets(%arg13 : memref<128xi32, #tpu.memory_space<vmem>>) semaphore(%arg15 : memref<!tpu.dma_semaphore, #tpu.memory_space<semaphore_mem>>)
      %dma_wait3A_51 = arith.constant 0 : i32
      %dma_wait3A_52 = tpu.memref_slice %arg6[%dma_wait3A_51] : memref<16384xf32, #tpu.memory_space<hbm>> -> memref<16384xf32, #tpu.memory_space<hbm>>
      tpu.wait_indirect_dma semaphore(%arg15 : memref<!tpu.dma_semaphore, #tpu.memory_space<semaphore_mem>>) src(%dma_wait3A_52 : memref<16384xf32, #tpu.memory_space<hbm>>) dst(%arg14 : memref<128xf32, #tpu.memory_space<vmem>>)
      "tpu.region"() ({
        %run_scoped3A = tpu.sem_alloc : memref<!tpu.dma_semaphore, #tpu.memory_space<semaphore_mem>>
        %dma_start3A_53 = tpu.memref_slice %arg9[%mul3A_42] : memref<1664xf32, #tpu.memory_space<hbm>> -> memref<128xf32, #tpu.memory_space<hbm>>
        %dma_start3A_54 = tpu.memref_slice %arg9[%mul3A_42] : memref<1664xf32, #tpu.memory_space<hbm>> -> memref<128xf32, #tpu.memory_space<hbm>>
        tpu.enqueue_dma source(%arg14 : memref<128xf32, #tpu.memory_space<vmem>>) target(%dma_start3A_54 : memref<128xf32, #tpu.memory_space<hbm>>) target_semaphore(%run_scoped3A : memref<!tpu.dma_semaphore, #tpu.memory_space<semaphore_mem>>)
        %dma_wait3A_55 = tpu.memref_slice %arg9[%mul3A_42] : memref<1664xf32, #tpu.memory_space<hbm>> -> memref<128xf32, #tpu.memory_space<hbm>>
        %dma_wait3A_56 = tpu.memref_slice %arg9[%mul3A_42] : memref<1664xf32, #tpu.memory_space<hbm>> -> memref<128xf32, #tpu.memory_space<hbm>>
        tpu.wait_dma2 semaphore(%run_scoped3A : memref<!tpu.dma_semaphore, #tpu.memory_space<semaphore_mem>>) src(%arg14 : memref<128xf32, #tpu.memory_space<vmem>>) dst(%dma_wait3A_56 : memref<128xf32, #tpu.memory_space<hbm>>)
        tpu.yield
      }) : () -> ()
    } else {
    }
    %ge3A = arith.constant 13 : i32
    %ge3A_5 = arith.cmpi sge, %add3A_2, %ge3A : i32
    %lt3A_6 = arith.constant 78 : i32
    %lt3A_7 = arith.cmpi slt, %add3A_2, %lt3A_6 : i32
    %and3A = arith.andi %ge3A_5, %lt3A_7 : i1
    %convert_element_type3A_8 = arith.extui %and3A : i1 to i32
    %cond3A_9 = arith.constant 0 : i32
    %cond3A_10 = arith.cmpi ne, %convert_element_type3A_8, %cond3A_9 : i32
    scf.if %cond3A_10 {
      %sub3A = arith.constant 13 : i32
      %sub3A_41 = arith.subi %add3A_2, %sub3A : i32
      %mul3A_42 = arith.constant 128 : i32
      %mul3A_43 = arith.muli %sub3A_41, %mul3A_42 : i32
      "tpu.region"() ({
        %run_scoped3A = tpu.sem_alloc : memref<!tpu.dma_semaphore, #tpu.memory_space<semaphore_mem>>
        %dma_start3A_54 = tpu.memref_slice %arg3[%mul3A_43] : memref<8320xi32, #tpu.memory_space<hbm>> -> memref<128xi32, #tpu.memory_space<hbm>>
        %dma_start3A_55 = tpu.memref_slice %arg3[%mul3A_43] : memref<8320xi32, #tpu.memory_space<hbm>> -> memref<128xi32, #tpu.memory_space<hbm>>
        tpu.enqueue_dma source(%dma_start3A_55 : memref<128xi32, #tpu.memory_space<hbm>>) target(%arg13 : memref<128xi32, #tpu.memory_space<vmem>>) target_semaphore(%run_scoped3A : memref<!tpu.dma_semaphore, #tpu.memory_space<semaphore_mem>>)
        %dma_wait3A_56 = tpu.memref_slice %arg3[%mul3A_43] : memref<8320xi32, #tpu.memory_space<hbm>> -> memref<128xi32, #tpu.memory_space<hbm>>
        %dma_wait3A_57 = tpu.memref_slice %arg3[%mul3A_43] : memref<8320xi32, #tpu.memory_space<hbm>> -> memref<128xi32, #tpu.memory_space<hbm>>
        tpu.wait_dma2 semaphore(%run_scoped3A : memref<!tpu.dma_semaphore, #tpu.memory_space<semaphore_mem>>) src(%dma_wait3A_57 : memref<128xi32, #tpu.memory_space<hbm>>) dst(%arg13 : memref<128xi32, #tpu.memory_space<vmem>>)
        tpu.yield
      }) : () -> ()
      %dma_start3A = arith.constant 0 : i32
      %dma_start3A_44 = tpu.memref_slice %arg4[%dma_start3A] : memref<16384xf32, #tpu.memory_space<hbm>> -> memref<16384xf32, #tpu.memory_space<hbm>>
      tpu.enqueue_indirect_dma source(%dma_start3A_44 : memref<16384xf32, #tpu.memory_space<hbm>>) target(%arg14 : memref<128xf32, #tpu.memory_space<vmem>>) offsets(%arg13 : memref<128xi32, #tpu.memory_space<vmem>>) semaphore(%arg15 : memref<!tpu.dma_semaphore, #tpu.memory_space<semaphore_mem>>)
      %dma_wait3A = arith.constant 0 : i32
      %dma_wait3A_45 = tpu.memref_slice %arg4[%dma_wait3A] : memref<16384xf32, #tpu.memory_space<hbm>> -> memref<16384xf32, #tpu.memory_space<hbm>>
      tpu.wait_indirect_dma semaphore(%arg15 : memref<!tpu.dma_semaphore, #tpu.memory_space<semaphore_mem>>) src(%dma_wait3A_45 : memref<16384xf32, #tpu.memory_space<hbm>>) dst(%arg14 : memref<128xf32, #tpu.memory_space<vmem>>)
      "tpu.region"() ({
        %run_scoped3A = tpu.sem_alloc : memref<!tpu.dma_semaphore, #tpu.memory_space<semaphore_mem>>
        %dma_start3A_54 = tpu.memref_slice %arg10[%mul3A_43] : memref<8320xf32, #tpu.memory_space<hbm>> -> memref<128xf32, #tpu.memory_space<hbm>>
        %dma_start3A_55 = tpu.memref_slice %arg10[%mul3A_43] : memref<8320xf32, #tpu.memory_space<hbm>> -> memref<128xf32, #tpu.memory_space<hbm>>
        tpu.enqueue_dma source(%arg14 : memref<128xf32, #tpu.memory_space<vmem>>) target(%dma_start3A_55 : memref<128xf32, #tpu.memory_space<hbm>>) target_semaphore(%run_scoped3A : memref<!tpu.dma_semaphore, #tpu.memory_space<semaphore_mem>>)
        %dma_wait3A_56 = tpu.memref_slice %arg10[%mul3A_43] : memref<8320xf32, #tpu.memory_space<hbm>> -> memref<128xf32, #tpu.memory_space<hbm>>
        %dma_wait3A_57 = tpu.memref_slice %arg10[%mul3A_43] : memref<8320xf32, #tpu.memory_space<hbm>> -> memref<128xf32, #tpu.memory_space<hbm>>
        tpu.wait_dma2 semaphore(%run_scoped3A : memref<!tpu.dma_semaphore, #tpu.memory_space<semaphore_mem>>) src(%arg14 : memref<128xf32, #tpu.memory_space<vmem>>) dst(%dma_wait3A_57 : memref<128xf32, #tpu.memory_space<hbm>>)
        tpu.yield
      }) : () -> ()
      %dma_start3A_46 = arith.constant 0 : i32
      %dma_start3A_47 = tpu.memref_slice %arg5[%dma_start3A_46] : memref<16384xf32, #tpu.memory_space<hbm>> -> memref<16384xf32, #tpu.memory_space<hbm>>
      tpu.enqueue_indirect_dma source(%dma_start3A_47 : memref<16384xf32, #tpu.memory_space<hbm>>) target(%arg14 : memref<128xf32, #tpu.memory_space<vmem>>) offsets(%arg13 : memref<128xi32, #tpu.memory_space<vmem>>) semaphore(%arg15 : memref<!tpu.dma_semaphore, #tpu.memory_space<semaphore_mem>>)
      %dma_wait3A_48 = arith.constant 0 : i32
      %dma_wait3A_49 = tpu.memref_slice %arg5[%dma_wait3A_48] : memref<16384xf32, #tpu.memory_space<hbm>> -> memref<16384xf32, #tpu.memory_space<hbm>>
      tpu.wait_indirect_dma semaphore(%arg15 : memref<!tpu.dma_semaphore, #tpu.memory_space<semaphore_mem>>) src(%dma_wait3A_49 : memref<16384xf32, #tpu.memory_space<hbm>>) dst(%arg14 : memref<128xf32, #tpu.memory_space<vmem>>)
      "tpu.region"() ({
        %run_scoped3A = tpu.sem_alloc : memref<!tpu.dma_semaphore, #tpu.memory_space<semaphore_mem>>
        %dma_start3A_54 = tpu.memref_slice %arg11[%mul3A_43] : memref<8320xf32, #tpu.memory_space<hbm>> -> memref<128xf32, #tpu.memory_space<hbm>>
        %dma_start3A_55 = tpu.memref_slice %arg11[%mul3A_43] : memref<8320xf32, #tpu.memory_space<hbm>> -> memref<128xf32, #tpu.memory_space<hbm>>
        tpu.enqueue_dma source(%arg14 : memref<128xf32, #tpu.memory_space<vmem>>) target(%dma_start3A_55 : memref<128xf32, #tpu.memory_space<hbm>>) target_semaphore(%run_scoped3A : memref<!tpu.dma_semaphore, #tpu.memory_space<semaphore_mem>>)
        %dma_wait3A_56 = tpu.memref_slice %arg11[%mul3A_43] : memref<8320xf32, #tpu.memory_space<hbm>> -> memref<128xf32, #tpu.memory_space<hbm>>
        %dma_wait3A_57 = tpu.memref_slice %arg11[%mul3A_43] : memref<8320xf32, #tpu.memory_space<hbm>> -> memref<128xf32, #tpu.memory_space<hbm>>
        tpu.wait_dma2 semaphore(%run_scoped3A : memref<!tpu.dma_semaphore, #tpu.memory_space<semaphore_mem>>) src(%arg14 : memref<128xf32, #tpu.memory_space<vmem>>) dst(%dma_wait3A_57 : memref<128xf32, #tpu.memory_space<hbm>>)
        tpu.yield
      }) : () -> ()
      %dma_start3A_50 = arith.constant 0 : i32
      %dma_start3A_51 = tpu.memref_slice %arg6[%dma_start3A_50] : memref<16384xf32, #tpu.memory_space<hbm>> -> memref<16384xf32, #tpu.memory_space<hbm>>
      tpu.enqueue_indirect_dma source(%dma_start3A_51 : memref<16384xf32, #tpu.memory_space<hbm>>) target(%arg14 : memref<128xf32, #tpu.memory_space<vmem>>) offsets(%arg13 : memref<128xi32, #tpu.memory_space<vmem>>) semaphore(%arg15 : memref<!tpu.dma_semaphore, #tpu.memory_space<semaphore_mem>>)
      %dma_wait3A_52 = arith.constant 0 : i32
      %dma_wait3A_53 = tpu.memref_slice %arg6[%dma_wait3A_52] : memref<16384xf32, #tpu.memory_space<hbm>> -> memref<16384xf32, #tpu.memory_space<hbm>>
      tpu.wait_indirect_dma semaphore(%arg15 : memref<!tpu.dma_semaphore, #tpu.memory_space<semaphore_mem>>) src(%dma_wait3A_53 : memref<16384xf32, #tpu.memory_space<hbm>>) dst(%arg14 : memref<128xf32, #tpu.memory_space<vmem>>)
      "tpu.region"() ({
        %run_scoped3A = tpu.sem_alloc : memref<!tpu.dma_semaphore, #tpu.memory_space<semaphore_mem>>
        %dma_start3A_54 = tpu.memref_slice %arg12[%mul3A_43] : memref<8320xf32, #tpu.memory_space<hbm>> -> memref<128xf32, #tpu.memory_space<hbm>>
        %dma_start3A_55 = tpu.memref_slice %arg12[%mul3A_43] : memref<8320xf32, #tpu.memory_space<hbm>> -> memref<128xf32, #tpu.memory_space<hbm>>
        tpu.enqueue_dma source(%arg14 : memref<128xf32, #tpu.memory_space<vmem>>) target(%dma_start3A_55 : memref<128xf32, #tpu.memory_space<hbm>>) target_semaphore(%run_scoped3A : memref<!tpu.dma_semaphore, #tpu.memory_space<semaphore_mem>>)
        %dma_wait3A_56 = tpu.memref_slice %arg12[%mul3A_43] : memref<8320xf32, #tpu.memory_space<hbm>> -> memref<128xf32, #tpu.memory_space<hbm>>
        %dma_wait3A_57 = tpu.memref_slice %arg12[%mul3A_43] : memref<8320xf32, #tpu.memory_space<hbm>> -> memref<128xf32, #tpu.memory_space<hbm>>
        tpu.wait_dma2 semaphore(%run_scoped3A : memref<!tpu.dma_semaphore, #tpu.memory_space<semaphore_mem>>) src(%arg14 : memref<128xf32, #tpu.memory_space<vmem>>) dst(%dma_wait3A_57 : memref<128xf32, #tpu.memory_space<hbm>>)
        tpu.yield
      }) : () -> ()
    } else {
    }
    %add3A_11 = arith.constant 32 : i32
    %add3A_12 = arith.addi %add3A, %add3A_11 : i32
    %lt3A_13 = arith.constant 13 : i32
    %lt3A_14 = arith.cmpi slt, %add3A_12, %lt3A_13 : i32
    %convert_element_type3A_15 = arith.extui %lt3A_14 : i1 to i32
    %cond3A_16 = arith.constant 0 : i32
    %cond3A_17 = arith.cmpi ne, %convert_element_type3A_15, %cond3A_16 : i32
    scf.if %cond3A_17 {
      %mul3A_41 = arith.constant 128 : i32
      %mul3A_42 = arith.muli %add3A_12, %mul3A_41 : i32
      "tpu.region"() ({
        %run_scoped3A = tpu.sem_alloc : memref<!tpu.dma_semaphore, #tpu.memory_space<semaphore_mem>>
        %dma_start3A_53 = tpu.memref_slice %arg2[%mul3A_42] : memref<1664xi32, #tpu.memory_space<hbm>> -> memref<128xi32, #tpu.memory_space<hbm>>
        %dma_start3A_54 = tpu.memref_slice %arg2[%mul3A_42] : memref<1664xi32, #tpu.memory_space<hbm>> -> memref<128xi32, #tpu.memory_space<hbm>>
        tpu.enqueue_dma source(%dma_start3A_54 : memref<128xi32, #tpu.memory_space<hbm>>) target(%arg13 : memref<128xi32, #tpu.memory_space<vmem>>) target_semaphore(%run_scoped3A : memref<!tpu.dma_semaphore, #tpu.memory_space<semaphore_mem>>)
        %dma_wait3A_55 = tpu.memref_slice %arg2[%mul3A_42] : memref<1664xi32, #tpu.memory_space<hbm>> -> memref<128xi32, #tpu.memory_space<hbm>>
        %dma_wait3A_56 = tpu.memref_slice %arg2[%mul3A_42] : memref<1664xi32, #tpu.memory_space<hbm>> -> memref<128xi32, #tpu.memory_space<hbm>>
        tpu.wait_dma2 semaphore(%run_scoped3A : memref<!tpu.dma_semaphore, #tpu.memory_space<semaphore_mem>>) src(%dma_wait3A_56 : memref<128xi32, #tpu.memory_space<hbm>>) dst(%arg13 : memref<128xi32, #tpu.memory_space<vmem>>)
        tpu.yield
      }) : () -> ()
      %dma_start3A = arith.constant 0 : i32
      %dma_start3A_43 = tpu.memref_slice %arg4[%dma_start3A] : memref<16384xf32, #tpu.memory_space<hbm>> -> memref<16384xf32, #tpu.memory_space<hbm>>
      tpu.enqueue_indirect_dma source(%dma_start3A_43 : memref<16384xf32, #tpu.memory_space<hbm>>) target(%arg14 : memref<128xf32, #tpu.memory_space<vmem>>) offsets(%arg13 : memref<128xi32, #tpu.memory_space<vmem>>) semaphore(%arg15 : memref<!tpu.dma_semaphore, #tpu.memory_space<semaphore_mem>>)
      %dma_wait3A = arith.constant 0 : i32
      %dma_wait3A_44 = tpu.memref_slice %arg4[%dma_wait3A] : memref<16384xf32, #tpu.memory_space<hbm>> -> memref<16384xf32, #tpu.memory_space<hbm>>
      tpu.wait_indirect_dma semaphore(%arg15 : memref<!tpu.dma_semaphore, #tpu.memory_space<semaphore_mem>>) src(%dma_wait3A_44 : memref<16384xf32, #tpu.memory_space<hbm>>) dst(%arg14 : memref<128xf32, #tpu.memory_space<vmem>>)
      "tpu.region"() ({
        %run_scoped3A = tpu.sem_alloc : memref<!tpu.dma_semaphore, #tpu.memory_space<semaphore_mem>>
        %dma_start3A_53 = tpu.memref_slice %arg7[%mul3A_42] : memref<1664xf32, #tpu.memory_space<hbm>> -> memref<128xf32, #tpu.memory_space<hbm>>
        %dma_start3A_54 = tpu.memref_slice %arg7[%mul3A_42] : memref<1664xf32, #tpu.memory_space<hbm>> -> memref<128xf32, #tpu.memory_space<hbm>>
        tpu.enqueue_dma source(%arg14 : memref<128xf32, #tpu.memory_space<vmem>>) target(%dma_start3A_54 : memref<128xf32, #tpu.memory_space<hbm>>) target_semaphore(%run_scoped3A : memref<!tpu.dma_semaphore, #tpu.memory_space<semaphore_mem>>)
        %dma_wait3A_55 = tpu.memref_slice %arg7[%mul3A_42] : memref<1664xf32, #tpu.memory_space<hbm>> -> memref<128xf32, #tpu.memory_space<hbm>>
        %dma_wait3A_56 = tpu.memref_slice %arg7[%mul3A_42] : memref<1664xf32, #tpu.memory_space<hbm>> -> memref<128xf32, #tpu.memory_space<hbm>>
        tpu.wait_dma2 semaphore(%run_scoped3A : memref<!tpu.dma_semaphore, #tpu.memory_space<semaphore_mem>>) src(%arg14 : memref<128xf32, #tpu.memory_space<vmem>>) dst(%dma_wait3A_56 : memref<128xf32, #tpu.memory_space<hbm>>)
        tpu.yield
      }) : () -> ()
      %dma_start3A_45 = arith.constant 0 : i32
      %dma_start3A_46 = tpu.memref_slice %arg5[%dma_start3A_45] : memref<16384xf32, #tpu.memory_space<hbm>> -> memref<16384xf32, #tpu.memory_space<hbm>>
      tpu.enqueue_indirect_dma source(%dma_start3A_46 : memref<16384xf32, #tpu.memory_space<hbm>>) target(%arg14 : memref<128xf32, #tpu.memory_space<vmem>>) offsets(%arg13 : memref<128xi32, #tpu.memory_space<vmem>>) semaphore(%arg15 : memref<!tpu.dma_semaphore, #tpu.memory_space<semaphore_mem>>)
      %dma_wait3A_47 = arith.constant 0 : i32
      %dma_wait3A_48 = tpu.memref_slice %arg5[%dma_wait3A_47] : memref<16384xf32, #tpu.memory_space<hbm>> -> memref<16384xf32, #tpu.memory_space<hbm>>
      tpu.wait_indirect_dma semaphore(%arg15 : memref<!tpu.dma_semaphore, #tpu.memory_space<semaphore_mem>>) src(%dma_wait3A_48 : memref<16384xf32, #tpu.memory_space<hbm>>) dst(%arg14 : memref<128xf32, #tpu.memory_space<vmem>>)
      "tpu.region"() ({
        %run_scoped3A = tpu.sem_alloc : memref<!tpu.dma_semaphore, #tpu.memory_space<semaphore_mem>>
        %dma_start3A_53 = tpu.memref_slice %arg8[%mul3A_42] : memref<1664xf32, #tpu.memory_space<hbm>> -> memref<128xf32, #tpu.memory_space<hbm>>
        %dma_start3A_54 = tpu.memref_slice %arg8[%mul3A_42] : memref<1664xf32, #tpu.memory_space<hbm>> -> memref<128xf32, #tpu.memory_space<hbm>>
        tpu.enqueue_dma source(%arg14 : memref<128xf32, #tpu.memory_space<vmem>>) target(%dma_start3A_54 : memref<128xf32, #tpu.memory_space<hbm>>) target_semaphore(%run_scoped3A : memref<!tpu.dma_semaphore, #tpu.memory_space<semaphore_mem>>)
        %dma_wait3A_55 = tpu.memref_slice %arg8[%mul3A_42] : memref<1664xf32, #tpu.memory_space<hbm>> -> memref<128xf32, #tpu.memory_space<hbm>>
        %dma_wait3A_56 = tpu.memref_slice %arg8[%mul3A_42] : memref<1664xf32, #tpu.memory_space<hbm>> -> memref<128xf32, #tpu.memory_space<hbm>>
        tpu.wait_dma2 semaphore(%run_scoped3A : memref<!tpu.dma_semaphore, #tpu.memory_space<semaphore_mem>>) src(%arg14 : memref<128xf32, #tpu.memory_space<vmem>>) dst(%dma_wait3A_56 : memref<128xf32, #tpu.memory_space<hbm>>)
        tpu.yield
      }) : () -> ()
      %dma_start3A_49 = arith.constant 0 : i32
      %dma_start3A_50 = tpu.memref_slice %arg6[%dma_start3A_49] : memref<16384xf32, #tpu.memory_space<hbm>> -> memref<16384xf32, #tpu.memory_space<hbm>>
      tpu.enqueue_indirect_dma source(%dma_start3A_50 : memref<16384xf32, #tpu.memory_space<hbm>>) target(%arg14 : memref<128xf32, #tpu.memory_space<vmem>>) offsets(%arg13 : memref<128xi32, #tpu.memory_space<vmem>>) semaphore(%arg15 : memref<!tpu.dma_semaphore, #tpu.memory_space<semaphore_mem>>)
      %dma_wait3A_51 = arith.constant 0 : i32
      %dma_wait3A_52 = tpu.memref_slice %arg6[%dma_wait3A_51] : memref<16384xf32, #tpu.memory_space<hbm>> -> memref<16384xf32, #tpu.memory_space<hbm>>
      tpu.wait_indirect_dma semaphore(%arg15 : memref<!tpu.dma_semaphore, #tpu.memory_space<semaphore_mem>>) src(%dma_wait3A_52 : memref<16384xf32, #tpu.memory_space<hbm>>) dst(%arg14 : memref<128xf32, #tpu.memory_space<vmem>>)
      "tpu.region"() ({
        %run_scoped3A = tpu.sem_alloc : memref<!tpu.dma_semaphore, #tpu.memory_space<semaphore_mem>>
        %dma_start3A_53 = tpu.memref_slice %arg9[%mul3A_42] : memref<1664xf32, #tpu.memory_space<hbm>> -> memref<128xf32, #tpu.memory_space<hbm>>
        %dma_start3A_54 = tpu.memref_slice %arg9[%mul3A_42] : memref<1664xf32, #tpu.memory_space<hbm>> -> memref<128xf32, #tpu.memory_space<hbm>>
        tpu.enqueue_dma source(%arg14 : memref<128xf32, #tpu.memory_space<vmem>>) target(%dma_start3A_54 : memref<128xf32, #tpu.memory_space<hbm>>) target_semaphore(%run_scoped3A : memref<!tpu.dma_semaphore, #tpu.memory_space<semaphore_mem>>)
        %dma_wait3A_55 = tpu.memref_slice %arg9[%mul3A_42] : memref<1664xf32, #tpu.memory_space<hbm>> -> memref<128xf32, #tpu.memory_space<hbm>>
        %dma_wait3A_56 = tpu.memref_slice %arg9[%mul3A_42] : memref<1664xf32, #tpu.memory_space<hbm>> -> memref<128xf32, #tpu.memory_space<hbm>>
        tpu.wait_dma2 semaphore(%run_scoped3A : memref<!tpu.dma_semaphore, #tpu.memory_space<semaphore_mem>>) src(%arg14 : memref<128xf32, #tpu.memory_space<vmem>>) dst(%dma_wait3A_56 : memref<128xf32, #tpu.memory_space<hbm>>)
        tpu.yield
      }) : () -> ()
    } else {
    }
    %ge3A_18 = arith.constant 13 : i32
    %ge3A_19 = arith.cmpi sge, %add3A_12, %ge3A_18 : i32
    %lt3A_20 = arith.constant 78 : i32
    %lt3A_21 = arith.cmpi slt, %add3A_12, %lt3A_20 : i32
    %and3A_22 = arith.andi %ge3A_19, %lt3A_21 : i1
    %convert_element_type3A_23 = arith.extui %and3A_22 : i1 to i32
    %cond3A_24 = arith.constant 0 : i32
    %cond3A_25 = arith.cmpi ne, %convert_element_type3A_23, %cond3A_24 : i32
    scf.if %cond3A_25 {
      %sub3A = arith.constant 13 : i32
      %sub3A_41 = arith.subi %add3A_12, %sub3A : i32
      %mul3A_42 = arith.constant 128 : i32
      %mul3A_43 = arith.muli %sub3A_41, %mul3A_42 : i32
      "tpu.region"() ({
        %run_scoped3A = tpu.sem_alloc : memref<!tpu.dma_semaphore, #tpu.memory_space<semaphore_mem>>
        %dma_start3A_54 = tpu.memref_slice %arg3[%mul3A_43] : memref<8320xi32, #tpu.memory_space<hbm>> -> memref<128xi32, #tpu.memory_space<hbm>>
        %dma_start3A_55 = tpu.memref_slice %arg3[%mul3A_43] : memref<8320xi32, #tpu.memory_space<hbm>> -> memref<128xi32, #tpu.memory_space<hbm>>
        tpu.enqueue_dma source(%dma_start3A_55 : memref<128xi32, #tpu.memory_space<hbm>>) target(%arg13 : memref<128xi32, #tpu.memory_space<vmem>>) target_semaphore(%run_scoped3A : memref<!tpu.dma_semaphore, #tpu.memory_space<semaphore_mem>>)
        %dma_wait3A_56 = tpu.memref_slice %arg3[%mul3A_43] : memref<8320xi32, #tpu.memory_space<hbm>> -> memref<128xi32, #tpu.memory_space<hbm>>
        %dma_wait3A_57 = tpu.memref_slice %arg3[%mul3A_43] : memref<8320xi32, #tpu.memory_space<hbm>> -> memref<128xi32, #tpu.memory_space<hbm>>
        tpu.wait_dma2 semaphore(%run_scoped3A : memref<!tpu.dma_semaphore, #tpu.memory_space<semaphore_mem>>) src(%dma_wait3A_57 : memref<128xi32, #tpu.memory_space<hbm>>) dst(%arg13 : memref<128xi32, #tpu.memory_space<vmem>>)
        tpu.yield
      }) : () -> ()
      %dma_start3A = arith.constant 0 : i32
      %dma_start3A_44 = tpu.memref_slice %arg4[%dma_start3A] : memref<16384xf32, #tpu.memory_space<hbm>> -> memref<16384xf32, #tpu.memory_space<hbm>>
      tpu.enqueue_indirect_dma source(%dma_start3A_44 : memref<16384xf32, #tpu.memory_space<hbm>>) target(%arg14 : memref<128xf32, #tpu.memory_space<vmem>>) offsets(%arg13 : memref<128xi32, #tpu.memory_space<vmem>>) semaphore(%arg15 : memref<!tpu.dma_semaphore, #tpu.memory_space<semaphore_mem>>)
      %dma_wait3A = arith.constant 0 : i32
      %dma_wait3A_45 = tpu.memref_slice %arg4[%dma_wait3A] : memref<16384xf32, #tpu.memory_space<hbm>> -> memref<16384xf32, #tpu.memory_space<hbm>>
      tpu.wait_indirect_dma semaphore(%arg15 : memref<!tpu.dma_semaphore, #tpu.memory_space<semaphore_mem>>) src(%dma_wait3A_45 : memref<16384xf32, #tpu.memory_space<hbm>>) dst(%arg14 : memref<128xf32, #tpu.memory_space<vmem>>)
      "tpu.region"() ({
        %run_scoped3A = tpu.sem_alloc : memref<!tpu.dma_semaphore, #tpu.memory_space<semaphore_mem>>
        %dma_start3A_54 = tpu.memref_slice %arg10[%mul3A_43] : memref<8320xf32, #tpu.memory_space<hbm>> -> memref<128xf32, #tpu.memory_space<hbm>>
        %dma_start3A_55 = tpu.memref_slice %arg10[%mul3A_43] : memref<8320xf32, #tpu.memory_space<hbm>> -> memref<128xf32, #tpu.memory_space<hbm>>
        tpu.enqueue_dma source(%arg14 : memref<128xf32, #tpu.memory_space<vmem>>) target(%dma_start3A_55 : memref<128xf32, #tpu.memory_space<hbm>>) target_semaphore(%run_scoped3A : memref<!tpu.dma_semaphore, #tpu.memory_space<semaphore_mem>>)
        %dma_wait3A_56 = tpu.memref_slice %arg10[%mul3A_43] : memref<8320xf32, #tpu.memory_space<hbm>> -> memref<128xf32, #tpu.memory_space<hbm>>
        %dma_wait3A_57 = tpu.memref_slice %arg10[%mul3A_43] : memref<8320xf32, #tpu.memory_space<hbm>> -> memref<128xf32, #tpu.memory_space<hbm>>
        tpu.wait_dma2 semaphore(%run_scoped3A : memref<!tpu.dma_semaphore, #tpu.memory_space<semaphore_mem>>) src(%arg14 : memref<128xf32, #tpu.memory_space<vmem>>) dst(%dma_wait3A_57 : memref<128xf32, #tpu.memory_space<hbm>>)
        tpu.yield
      }) : () -> ()
      %dma_start3A_46 = arith.constant 0 : i32
      %dma_start3A_47 = tpu.memref_slice %arg5[%dma_start3A_46] : memref<16384xf32, #tpu.memory_space<hbm>> -> memref<16384xf32, #tpu.memory_space<hbm>>
      tpu.enqueue_indirect_dma source(%dma_start3A_47 : memref<16384xf32, #tpu.memory_space<hbm>>) target(%arg14 : memref<128xf32, #tpu.memory_space<vmem>>) offsets(%arg13 : memref<128xi32, #tpu.memory_space<vmem>>) semaphore(%arg15 : memref<!tpu.dma_semaphore, #tpu.memory_space<semaphore_mem>>)
      %dma_wait3A_48 = arith.constant 0 : i32
      %dma_wait3A_49 = tpu.memref_slice %arg5[%dma_wait3A_48] : memref<16384xf32, #tpu.memory_space<hbm>> -> memref<16384xf32, #tpu.memory_space<hbm>>
      tpu.wait_indirect_dma semaphore(%arg15 : memref<!tpu.dma_semaphore, #tpu.memory_space<semaphore_mem>>) src(%dma_wait3A_49 : memref<16384xf32, #tpu.memory_space<hbm>>) dst(%arg14 : memref<128xf32, #tpu.memory_space<vmem>>)
      "tpu.region"() ({
        %run_scoped3A = tpu.sem_alloc : memref<!tpu.dma_semaphore, #tpu.memory_space<semaphore_mem>>
        %dma_start3A_54 = tpu.memref_slice %arg11[%mul3A_43] : memref<8320xf32, #tpu.memory_space<hbm>> -> memref<128xf32, #tpu.memory_space<hbm>>
        %dma_start3A_55 = tpu.memref_slice %arg11[%mul3A_43] : memref<8320xf32, #tpu.memory_space<hbm>> -> memref<128xf32, #tpu.memory_space<hbm>>
        tpu.enqueue_dma source(%arg14 : memref<128xf32, #tpu.memory_space<vmem>>) target(%dma_start3A_55 : memref<128xf32, #tpu.memory_space<hbm>>) target_semaphore(%run_scoped3A : memref<!tpu.dma_semaphore, #tpu.memory_space<semaphore_mem>>)
        %dma_wait3A_56 = tpu.memref_slice %arg11[%mul3A_43] : memref<8320xf32, #tpu.memory_space<hbm>> -> memref<128xf32, #tpu.memory_space<hbm>>
        %dma_wait3A_57 = tpu.memref_slice %arg11[%mul3A_43] : memref<8320xf32, #tpu.memory_space<hbm>> -> memref<128xf32, #tpu.memory_space<hbm>>
        tpu.wait_dma2 semaphore(%run_scoped3A : memref<!tpu.dma_semaphore, #tpu.memory_space<semaphore_mem>>) src(%arg14 : memref<128xf32, #tpu.memory_space<vmem>>) dst(%dma_wait3A_57 : memref<128xf32, #tpu.memory_space<hbm>>)
        tpu.yield
      }) : () -> ()
      %dma_start3A_50 = arith.constant 0 : i32
      %dma_start3A_51 = tpu.memref_slice %arg6[%dma_start3A_50] : memref<16384xf32, #tpu.memory_space<hbm>> -> memref<16384xf32, #tpu.memory_space<hbm>>
      tpu.enqueue_indirect_dma source(%dma_start3A_51 : memref<16384xf32, #tpu.memory_space<hbm>>) target(%arg14 : memref<128xf32, #tpu.memory_space<vmem>>) offsets(%arg13 : memref<128xi32, #tpu.memory_space<vmem>>) semaphore(%arg15 : memref<!tpu.dma_semaphore, #tpu.memory_space<semaphore_mem>>)
      %dma_wait3A_52 = arith.constant 0 : i32
      %dma_wait3A_53 = tpu.memref_slice %arg6[%dma_wait3A_52] : memref<16384xf32, #tpu.memory_space<hbm>> -> memref<16384xf32, #tpu.memory_space<hbm>>
      tpu.wait_indirect_dma semaphore(%arg15 : memref<!tpu.dma_semaphore, #tpu.memory_space<semaphore_mem>>) src(%dma_wait3A_53 : memref<16384xf32, #tpu.memory_space<hbm>>) dst(%arg14 : memref<128xf32, #tpu.memory_space<vmem>>)
      "tpu.region"() ({
        %run_scoped3A = tpu.sem_alloc : memref<!tpu.dma_semaphore, #tpu.memory_space<semaphore_mem>>
        %dma_start3A_54 = tpu.memref_slice %arg12[%mul3A_43] : memref<8320xf32, #tpu.memory_space<hbm>> -> memref<128xf32, #tpu.memory_space<hbm>>
        %dma_start3A_55 = tpu.memref_slice %arg12[%mul3A_43] : memref<8320xf32, #tpu.memory_space<hbm>> -> memref<128xf32, #tpu.memory_space<hbm>>
        tpu.enqueue_dma source(%arg14 : memref<128xf32, #tpu.memory_space<vmem>>) target(%dma_start3A_55 : memref<128xf32, #tpu.memory_space<hbm>>) target_semaphore(%run_scoped3A : memref<!tpu.dma_semaphore, #tpu.memory_space<semaphore_mem>>)
        %dma_wait3A_56 = tpu.memref_slice %arg12[%mul3A_43] : memref<8320xf32, #tpu.memory_space<hbm>> -> memref<128xf32, #tpu.memory_space<hbm>>
        %dma_wait3A_57 = tpu.memref_slice %arg12[%mul3A_43] : memref<8320xf32, #tpu.memory_space<hbm>> -> memref<128xf32, #tpu.memory_space<hbm>>
        tpu.wait_dma2 semaphore(%run_scoped3A : memref<!tpu.dma_semaphore, #tpu.memory_space<semaphore_mem>>) src(%arg14 : memref<128xf32, #tpu.memory_space<vmem>>) dst(%dma_wait3A_57 : memref<128xf32, #tpu.memory_space<hbm>>)
        tpu.yield
      }) : () -> ()
    } else {
    }
    %add3A_26 = arith.constant 64 : i32
    %add3A_27 = arith.addi %add3A, %add3A_26 : i32
    %lt3A_28 = arith.constant 13 : i32
    %lt3A_29 = arith.cmpi slt, %add3A_27, %lt3A_28 : i32
    %convert_element_type3A_30 = arith.extui %lt3A_29 : i1 to i32
    %cond3A_31 = arith.constant 0 : i32
    %cond3A_32 = arith.cmpi ne, %convert_element_type3A_30, %cond3A_31 : i32
    scf.if %cond3A_32 {
      %mul3A_41 = arith.constant 128 : i32
      %mul3A_42 = arith.muli %add3A_27, %mul3A_41 : i32
      "tpu.region"() ({
        %run_scoped3A = tpu.sem_alloc : memref<!tpu.dma_semaphore, #tpu.memory_space<semaphore_mem>>
        %dma_start3A_53 = tpu.memref_slice %arg2[%mul3A_42] : memref<1664xi32, #tpu.memory_space<hbm>> -> memref<128xi32, #tpu.memory_space<hbm>>
        %dma_start3A_54 = tpu.memref_slice %arg2[%mul3A_42] : memref<1664xi32, #tpu.memory_space<hbm>> -> memref<128xi32, #tpu.memory_space<hbm>>
        tpu.enqueue_dma source(%dma_start3A_54 : memref<128xi32, #tpu.memory_space<hbm>>) target(%arg13 : memref<128xi32, #tpu.memory_space<vmem>>) target_semaphore(%run_scoped3A : memref<!tpu.dma_semaphore, #tpu.memory_space<semaphore_mem>>)
        %dma_wait3A_55 = tpu.memref_slice %arg2[%mul3A_42] : memref<1664xi32, #tpu.memory_space<hbm>> -> memref<128xi32, #tpu.memory_space<hbm>>
        %dma_wait3A_56 = tpu.memref_slice %arg2[%mul3A_42] : memref<1664xi32, #tpu.memory_space<hbm>> -> memref<128xi32, #tpu.memory_space<hbm>>
        tpu.wait_dma2 semaphore(%run_scoped3A : memref<!tpu.dma_semaphore, #tpu.memory_space<semaphore_mem>>) src(%dma_wait3A_56 : memref<128xi32, #tpu.memory_space<hbm>>) dst(%arg13 : memref<128xi32, #tpu.memory_space<vmem>>)
        tpu.yield
      }) : () -> ()
      %dma_start3A = arith.constant 0 : i32
      %dma_start3A_43 = tpu.memref_slice %arg4[%dma_start3A] : memref<16384xf32, #tpu.memory_space<hbm>> -> memref<16384xf32, #tpu.memory_space<hbm>>
      tpu.enqueue_indirect_dma source(%dma_start3A_43 : memref<16384xf32, #tpu.memory_space<hbm>>) target(%arg14 : memref<128xf32, #tpu.memory_space<vmem>>) offsets(%arg13 : memref<128xi32, #tpu.memory_space<vmem>>) semaphore(%arg15 : memref<!tpu.dma_semaphore, #tpu.memory_space<semaphore_mem>>)
      %dma_wait3A = arith.constant 0 : i32
      %dma_wait3A_44 = tpu.memref_slice %arg4[%dma_wait3A] : memref<16384xf32, #tpu.memory_space<hbm>> -> memref<16384xf32, #tpu.memory_space<hbm>>
      tpu.wait_indirect_dma semaphore(%arg15 : memref<!tpu.dma_semaphore, #tpu.memory_space<semaphore_mem>>) src(%dma_wait3A_44 : memref<16384xf32, #tpu.memory_space<hbm>>) dst(%arg14 : memref<128xf32, #tpu.memory_space<vmem>>)
      "tpu.region"() ({
        %run_scoped3A = tpu.sem_alloc : memref<!tpu.dma_semaphore, #tpu.memory_space<semaphore_mem>>
        %dma_start3A_53 = tpu.memref_slice %arg7[%mul3A_42] : memref<1664xf32, #tpu.memory_space<hbm>> -> memref<128xf32, #tpu.memory_space<hbm>>
        %dma_start3A_54 = tpu.memref_slice %arg7[%mul3A_42] : memref<1664xf32, #tpu.memory_space<hbm>> -> memref<128xf32, #tpu.memory_space<hbm>>
        tpu.enqueue_dma source(%arg14 : memref<128xf32, #tpu.memory_space<vmem>>) target(%dma_start3A_54 : memref<128xf32, #tpu.memory_space<hbm>>) target_semaphore(%run_scoped3A : memref<!tpu.dma_semaphore, #tpu.memory_space<semaphore_mem>>)
        %dma_wait3A_55 = tpu.memref_slice %arg7[%mul3A_42] : memref<1664xf32, #tpu.memory_space<hbm>> -> memref<128xf32, #tpu.memory_space<hbm>>
        %dma_wait3A_56 = tpu.memref_slice %arg7[%mul3A_42] : memref<1664xf32, #tpu.memory_space<hbm>> -> memref<128xf32, #tpu.memory_space<hbm>>
        tpu.wait_dma2 semaphore(%run_scoped3A : memref<!tpu.dma_semaphore, #tpu.memory_space<semaphore_mem>>) src(%arg14 : memref<128xf32, #tpu.memory_space<vmem>>) dst(%dma_wait3A_56 : memref<128xf32, #tpu.memory_space<hbm>>)
        tpu.yield
      }) : () -> ()
      %dma_start3A_45 = arith.constant 0 : i32
      %dma_start3A_46 = tpu.memref_slice %arg5[%dma_start3A_45] : memref<16384xf32, #tpu.memory_space<hbm>> -> memref<16384xf32, #tpu.memory_space<hbm>>
      tpu.enqueue_indirect_dma source(%dma_start3A_46 : memref<16384xf32, #tpu.memory_space<hbm>>) target(%arg14 : memref<128xf32, #tpu.memory_space<vmem>>) offsets(%arg13 : memref<128xi32, #tpu.memory_space<vmem>>) semaphore(%arg15 : memref<!tpu.dma_semaphore, #tpu.memory_space<semaphore_mem>>)
      %dma_wait3A_47 = arith.constant 0 : i32
      %dma_wait3A_48 = tpu.memref_slice %arg5[%dma_wait3A_47] : memref<16384xf32, #tpu.memory_space<hbm>> -> memref<16384xf32, #tpu.memory_space<hbm>>
      tpu.wait_indirect_dma semaphore(%arg15 : memref<!tpu.dma_semaphore, #tpu.memory_space<semaphore_mem>>) src(%dma_wait3A_48 : memref<16384xf32, #tpu.memory_space<hbm>>) dst(%arg14 : memref<128xf32, #tpu.memory_space<vmem>>)
      "tpu.region"() ({
        %run_scoped3A = tpu.sem_alloc : memref<!tpu.dma_semaphore, #tpu.memory_space<semaphore_mem>>
        %dma_start3A_53 = tpu.memref_slice %arg8[%mul3A_42] : memref<1664xf32, #tpu.memory_space<hbm>> -> memref<128xf32, #tpu.memory_space<hbm>>
        %dma_start3A_54 = tpu.memref_slice %arg8[%mul3A_42] : memref<1664xf32, #tpu.memory_space<hbm>> -> memref<128xf32, #tpu.memory_space<hbm>>
        tpu.enqueue_dma source(%arg14 : memref<128xf32, #tpu.memory_space<vmem>>) target(%dma_start3A_54 : memref<128xf32, #tpu.memory_space<hbm>>) target_semaphore(%run_scoped3A : memref<!tpu.dma_semaphore, #tpu.memory_space<semaphore_mem>>)
        %dma_wait3A_55 = tpu.memref_slice %arg8[%mul3A_42] : memref<1664xf32, #tpu.memory_space<hbm>> -> memref<128xf32, #tpu.memory_space<hbm>>
        %dma_wait3A_56 = tpu.memref_slice %arg8[%mul3A_42] : memref<1664xf32, #tpu.memory_space<hbm>> -> memref<128xf32, #tpu.memory_space<hbm>>
        tpu.wait_dma2 semaphore(%run_scoped3A : memref<!tpu.dma_semaphore, #tpu.memory_space<semaphore_mem>>) src(%arg14 : memref<128xf32, #tpu.memory_space<vmem>>) dst(%dma_wait3A_56 : memref<128xf32, #tpu.memory_space<hbm>>)
        tpu.yield
      }) : () -> ()
      %dma_start3A_49 = arith.constant 0 : i32
      %dma_start3A_50 = tpu.memref_slice %arg6[%dma_start3A_49] : memref<16384xf32, #tpu.memory_space<hbm>> -> memref<16384xf32, #tpu.memory_space<hbm>>
      tpu.enqueue_indirect_dma source(%dma_start3A_50 : memref<16384xf32, #tpu.memory_space<hbm>>) target(%arg14 : memref<128xf32, #tpu.memory_space<vmem>>) offsets(%arg13 : memref<128xi32, #tpu.memory_space<vmem>>) semaphore(%arg15 : memref<!tpu.dma_semaphore, #tpu.memory_space<semaphore_mem>>)
      %dma_wait3A_51 = arith.constant 0 : i32
      %dma_wait3A_52 = tpu.memref_slice %arg6[%dma_wait3A_51] : memref<16384xf32, #tpu.memory_space<hbm>> -> memref<16384xf32, #tpu.memory_space<hbm>>
      tpu.wait_indirect_dma semaphore(%arg15 : memref<!tpu.dma_semaphore, #tpu.memory_space<semaphore_mem>>) src(%dma_wait3A_52 : memref<16384xf32, #tpu.memory_space<hbm>>) dst(%arg14 : memref<128xf32, #tpu.memory_space<vmem>>)
      "tpu.region"() ({
        %run_scoped3A = tpu.sem_alloc : memref<!tpu.dma_semaphore, #tpu.memory_space<semaphore_mem>>
        %dma_start3A_53 = tpu.memref_slice %arg9[%mul3A_42] : memref<1664xf32, #tpu.memory_space<hbm>> -> memref<128xf32, #tpu.memory_space<hbm>>
        %dma_start3A_54 = tpu.memref_slice %arg9[%mul3A_42] : memref<1664xf32, #tpu.memory_space<hbm>> -> memref<128xf32, #tpu.memory_space<hbm>>
        tpu.enqueue_dma source(%arg14 : memref<128xf32, #tpu.memory_space<vmem>>) target(%dma_start3A_54 : memref<128xf32, #tpu.memory_space<hbm>>) target_semaphore(%run_scoped3A : memref<!tpu.dma_semaphore, #tpu.memory_space<semaphore_mem>>)
        %dma_wait3A_55 = tpu.memref_slice %arg9[%mul3A_42] : memref<1664xf32, #tpu.memory_space<hbm>> -> memref<128xf32, #tpu.memory_space<hbm>>
        %dma_wait3A_56 = tpu.memref_slice %arg9[%mul3A_42] : memref<1664xf32, #tpu.memory_space<hbm>> -> memref<128xf32, #tpu.memory_space<hbm>>
        tpu.wait_dma2 semaphore(%run_scoped3A : memref<!tpu.dma_semaphore, #tpu.memory_space<semaphore_mem>>) src(%arg14 : memref<128xf32, #tpu.memory_space<vmem>>) dst(%dma_wait3A_56 : memref<128xf32, #tpu.memory_space<hbm>>)
        tpu.yield
      }) : () -> ()
    } else {
    }
    %ge3A_33 = arith.constant 13 : i32
    %ge3A_34 = arith.cmpi sge, %add3A_27, %ge3A_33 : i32
    %lt3A_35 = arith.constant 78 : i32
    %lt3A_36 = arith.cmpi slt, %add3A_27, %lt3A_35 : i32
    %and3A_37 = arith.andi %ge3A_34, %lt3A_36 : i1
    %convert_element_type3A_38 = arith.extui %and3A_37 : i1 to i32
    %cond3A_39 = arith.constant 0 : i32
    %cond3A_40 = arith.cmpi ne, %convert_element_type3A_38, %cond3A_39 : i32
    scf.if %cond3A_40 {
      %sub3A = arith.constant 13 : i32
      %sub3A_41 = arith.subi %add3A_27, %sub3A : i32
      %mul3A_42 = arith.constant 128 : i32
      %mul3A_43 = arith.muli %sub3A_41, %mul3A_42 : i32
      "tpu.region"() ({
        %run_scoped3A = tpu.sem_alloc : memref<!tpu.dma_semaphore, #tpu.memory_space<semaphore_mem>>
        %dma_start3A_54 = tpu.memref_slice %arg3[%mul3A_43] : memref<8320xi32, #tpu.memory_space<hbm>> -> memref<128xi32, #tpu.memory_space<hbm>>
        %dma_start3A_55 = tpu.memref_slice %arg3[%mul3A_43] : memref<8320xi32, #tpu.memory_space<hbm>> -> memref<128xi32, #tpu.memory_space<hbm>>
        tpu.enqueue_dma source(%dma_start3A_55 : memref<128xi32, #tpu.memory_space<hbm>>) target(%arg13 : memref<128xi32, #tpu.memory_space<vmem>>) target_semaphore(%run_scoped3A : memref<!tpu.dma_semaphore, #tpu.memory_space<semaphore_mem>>)
        %dma_wait3A_56 = tpu.memref_slice %arg3[%mul3A_43] : memref<8320xi32, #tpu.memory_space<hbm>> -> memref<128xi32, #tpu.memory_space<hbm>>
        %dma_wait3A_57 = tpu.memref_slice %arg3[%mul3A_43] : memref<8320xi32, #tpu.memory_space<hbm>> -> memref<128xi32, #tpu.memory_space<hbm>>
        tpu.wait_dma2 semaphore(%run_scoped3A : memref<!tpu.dma_semaphore, #tpu.memory_space<semaphore_mem>>) src(%dma_wait3A_57 : memref<128xi32, #tpu.memory_space<hbm>>) dst(%arg13 : memref<128xi32, #tpu.memory_space<vmem>>)
        tpu.yield
      }) : () -> ()
      %dma_start3A = arith.constant 0 : i32
      %dma_start3A_44 = tpu.memref_slice %arg4[%dma_start3A] : memref<16384xf32, #tpu.memory_space<hbm>> -> memref<16384xf32, #tpu.memory_space<hbm>>
      tpu.enqueue_indirect_dma source(%dma_start3A_44 : memref<16384xf32, #tpu.memory_space<hbm>>) target(%arg14 : memref<128xf32, #tpu.memory_space<vmem>>) offsets(%arg13 : memref<128xi32, #tpu.memory_space<vmem>>) semaphore(%arg15 : memref<!tpu.dma_semaphore, #tpu.memory_space<semaphore_mem>>)
      %dma_wait3A = arith.constant 0 : i32
      %dma_wait3A_45 = tpu.memref_slice %arg4[%dma_wait3A] : memref<16384xf32, #tpu.memory_space<hbm>> -> memref<16384xf32, #tpu.memory_space<hbm>>
      tpu.wait_indirect_dma semaphore(%arg15 : memref<!tpu.dma_semaphore, #tpu.memory_space<semaphore_mem>>) src(%dma_wait3A_45 : memref<16384xf32, #tpu.memory_space<hbm>>) dst(%arg14 : memref<128xf32, #tpu.memory_space<vmem>>)
      "tpu.region"() ({
        %run_scoped3A = tpu.sem_alloc : memref<!tpu.dma_semaphore, #tpu.memory_space<semaphore_mem>>
        %dma_start3A_54 = tpu.memref_slice %arg10[%mul3A_43] : memref<8320xf32, #tpu.memory_space<hbm>> -> memref<128xf32, #tpu.memory_space<hbm>>
        %dma_start3A_55 = tpu.memref_slice %arg10[%mul3A_43] : memref<8320xf32, #tpu.memory_space<hbm>> -> memref<128xf32, #tpu.memory_space<hbm>>
        tpu.enqueue_dma source(%arg14 : memref<128xf32, #tpu.memory_space<vmem>>) target(%dma_start3A_55 : memref<128xf32, #tpu.memory_space<hbm>>) target_semaphore(%run_scoped3A : memref<!tpu.dma_semaphore, #tpu.memory_space<semaphore_mem>>)
        %dma_wait3A_56 = tpu.memref_slice %arg10[%mul3A_43] : memref<8320xf32, #tpu.memory_space<hbm>> -> memref<128xf32, #tpu.memory_space<hbm>>
        %dma_wait3A_57 = tpu.memref_slice %arg10[%mul3A_43] : memref<8320xf32, #tpu.memory_space<hbm>> -> memref<128xf32, #tpu.memory_space<hbm>>
        tpu.wait_dma2 semaphore(%run_scoped3A : memref<!tpu.dma_semaphore, #tpu.memory_space<semaphore_mem>>) src(%arg14 : memref<128xf32, #tpu.memory_space<vmem>>) dst(%dma_wait3A_57 : memref<128xf32, #tpu.memory_space<hbm>>)
        tpu.yield
      }) : () -> ()
      %dma_start3A_46 = arith.constant 0 : i32
      %dma_start3A_47 = tpu.memref_slice %arg5[%dma_start3A_46] : memref<16384xf32, #tpu.memory_space<hbm>> -> memref<16384xf32, #tpu.memory_space<hbm>>
      tpu.enqueue_indirect_dma source(%dma_start3A_47 : memref<16384xf32, #tpu.memory_space<hbm>>) target(%arg14 : memref<128xf32, #tpu.memory_space<vmem>>) offsets(%arg13 : memref<128xi32, #tpu.memory_space<vmem>>) semaphore(%arg15 : memref<!tpu.dma_semaphore, #tpu.memory_space<semaphore_mem>>)
      %dma_wait3A_48 = arith.constant 0 : i32
      %dma_wait3A_49 = tpu.memref_slice %arg5[%dma_wait3A_48] : memref<16384xf32, #tpu.memory_space<hbm>> -> memref<16384xf32, #tpu.memory_space<hbm>>
      tpu.wait_indirect_dma semaphore(%arg15 : memref<!tpu.dma_semaphore, #tpu.memory_space<semaphore_mem>>) src(%dma_wait3A_49 : memref<16384xf32, #tpu.memory_space<hbm>>) dst(%arg14 : memref<128xf32, #tpu.memory_space<vmem>>)
      "tpu.region"() ({
        %run_scoped3A = tpu.sem_alloc : memref<!tpu.dma_semaphore, #tpu.memory_space<semaphore_mem>>
        %dma_start3A_54 = tpu.memref_slice %arg11[%mul3A_43] : memref<8320xf32, #tpu.memory_space<hbm>> -> memref<128xf32, #tpu.memory_space<hbm>>
        %dma_start3A_55 = tpu.memref_slice %arg11[%mul3A_43] : memref<8320xf32, #tpu.memory_space<hbm>> -> memref<128xf32, #tpu.memory_space<hbm>>
        tpu.enqueue_dma source(%arg14 : memref<128xf32, #tpu.memory_space<vmem>>) target(%dma_start3A_55 : memref<128xf32, #tpu.memory_space<hbm>>) target_semaphore(%run_scoped3A : memref<!tpu.dma_semaphore, #tpu.memory_space<semaphore_mem>>)
        %dma_wait3A_56 = tpu.memref_slice %arg11[%mul3A_43] : memref<8320xf32, #tpu.memory_space<hbm>> -> memref<128xf32, #tpu.memory_space<hbm>>
        %dma_wait3A_57 = tpu.memref_slice %arg11[%mul3A_43] : memref<8320xf32, #tpu.memory_space<hbm>> -> memref<128xf32, #tpu.memory_space<hbm>>
        tpu.wait_dma2 semaphore(%run_scoped3A : memref<!tpu.dma_semaphore, #tpu.memory_space<semaphore_mem>>) src(%arg14 : memref<128xf32, #tpu.memory_space<vmem>>) dst(%dma_wait3A_57 : memref<128xf32, #tpu.memory_space<hbm>>)
        tpu.yield
      }) : () -> ()
      %dma_start3A_50 = arith.constant 0 : i32
      %dma_start3A_51 = tpu.memref_slice %arg6[%dma_start3A_50] : memref<16384xf32, #tpu.memory_space<hbm>> -> memref<16384xf32, #tpu.memory_space<hbm>>
      tpu.enqueue_indirect_dma source(%dma_start3A_51 : memref<16384xf32, #tpu.memory_space<hbm>>) target(%arg14 : memref<128xf32, #tpu.memory_space<vmem>>) offsets(%arg13 : memref<128xi32, #tpu.memory_space<vmem>>) semaphore(%arg15 : memref<!tpu.dma_semaphore, #tpu.memory_space<semaphore_mem>>)
      %dma_wait3A_52 = arith.constant 0 : i32
      %dma_wait3A_53 = tpu.memref_slice %arg6[%dma_wait3A_52] : memref<16384xf32, #tpu.memory_space<hbm>> -> memref<16384xf32, #tpu.memory_space<hbm>>
      tpu.wait_indirect_dma semaphore(%arg15 : memref<!tpu.dma_semaphore, #tpu.memory_space<semaphore_mem>>) src(%dma_wait3A_53 : memref<16384xf32, #tpu.memory_space<hbm>>) dst(%arg14 : memref<128xf32, #tpu.memory_space<vmem>>)
      "tpu.region"() ({
        %run_scoped3A = tpu.sem_alloc : memref<!tpu.dma_semaphore, #tpu.memory_space<semaphore_mem>>
        %dma_start3A_54 = tpu.memref_slice %arg12[%mul3A_43] : memref<8320xf32, #tpu.memory_space<hbm>> -> memref<128xf32, #tpu.memory_space<hbm>>
        %dma_start3A_55 = tpu.memref_slice %arg12[%mul3A_43] : memref<8320xf32, #tpu.memory_space<hbm>> -> memref<128xf32, #tpu.memory_space<hbm>>
        tpu.enqueue_dma source(%arg14 : memref<128xf32, #tpu.memory_space<vmem>>) target(%dma_start3A_55 : memref<128xf32, #tpu.memory_space<hbm>>) target_semaphore(%run_scoped3A : memref<!tpu.dma_semaphore, #tpu.memory_space<semaphore_mem>>)
        %dma_wait3A_56 = tpu.memref_slice %arg12[%mul3A_43] : memref<8320xf32, #tpu.memory_space<hbm>> -> memref<128xf32, #tpu.memory_space<hbm>>
        %dma_wait3A_57 = tpu.memref_slice %arg12[%mul3A_43] : memref<8320xf32, #tpu.memory_space<hbm>> -> memref<128xf32, #tpu.memory_space<hbm>>
        tpu.wait_dma2 semaphore(%run_scoped3A : memref<!tpu.dma_semaphore, #tpu.memory_space<semaphore_mem>>) src(%arg14 : memref<128xf32, #tpu.memory_space<vmem>>) dst(%dma_wait3A_57 : memref<128xf32, #tpu.memory_space<hbm>>)
        tpu.yield
      }) : () -> ()
    } else {
    }
    return
  }
}

module attributes {stable_mosaic.version = 14 : i64} {
  func.func @_fpsknn_body(%arg0: i32, %arg1: memref<128x128xf32, #tpu.memory_space<vmem>>, %arg2: memref<128x128xf32, #tpu.memory_space<vmem>>, %arg3: memref<128x128xf32, #tpu.memory_space<vmem>>, %arg4: memref<16384xf32, #tpu.memory_space<smem>>, %arg5: memref<16384xf32, #tpu.memory_space<smem>>, %arg6: memref<16384xf32, #tpu.memory_space<smem>>, %arg7: memref<1x16384xf32, #tpu.memory_space<vmem>>, %arg8: memref<1x16384xf32, #tpu.memory_space<vmem>>, %arg9: memref<1x16384xf32, #tpu.memory_space<vmem>>, %arg10: memref<1664xi32, #tpu.memory_space<smem>>, %arg11: memref<1x128x8xi32, #tpu.memory_space<vmem>>, %arg12: memref<128x16384xf32, #tpu.memory_space<vmem>>, %arg13: memref<3x16x128xf32, #tpu.memory_space<vmem>>, %arg14: memref<128x128xf32, #tpu.memory_space<vmem>>) attributes {dimension_semantics = [#tpu.dimension_semantics<arbitrary>], iteration_bounds = array<i64: 14>, scalar_prefetch = 0 : i64, scratch_operands = 3 : i64, tpu.core_type = #tpu.core_type<tc>, window_params = [{pipeline_mode = #tpu.pipeline_mode<synchronous>, transform_indices = @transform_0, window_bounds = array<i64: 128, 128>}, {pipeline_mode = #tpu.pipeline_mode<synchronous>, transform_indices = @transform_1, window_bounds = array<i64: 128, 128>}, {pipeline_mode = #tpu.pipeline_mode<synchronous>, transform_indices = @transform_2, window_bounds = array<i64: 128, 128>}, {transform_indices = @transform_3, window_bounds = array<i64: 16384>}, {transform_indices = @transform_4, window_bounds = array<i64: 16384>}, {transform_indices = @transform_5, window_bounds = array<i64: 16384>}, {pipeline_mode = #tpu.pipeline_mode<synchronous>, transform_indices = @transform_6, window_bounds = array<i64: 1, 16384>}, {pipeline_mode = #tpu.pipeline_mode<synchronous>, transform_indices = @transform_7, window_bounds = array<i64: 1, 16384>}, {pipeline_mode = #tpu.pipeline_mode<synchronous>, transform_indices = @transform_8, window_bounds = array<i64: 1, 16384>}, {transform_indices = @transform_9, window_bounds = array<i64: 1664>}, {transform_indices = @transform_10, window_bounds = array<i64: 1, 128, 8>}]} {
    %eq3A = arith.constant 0 : i32
    %eq3A_0 = arith.cmpi eq, %arg0, %eq3A : i32
    %convert_element_type3A = arith.extui %eq3A_0 : i1 to i32
    %cond3A = arith.constant 0 : i32
    %cond3A_1 = arith.cmpi ne, %convert_element_type3A, %cond3A : i32
    scf.if %cond3A_1 {
      %get3A = arith.constant 0 : index
      %get3A_6 = arith.constant 0 : index
      %get3A_7 = vector.load %arg1[%get3A, %get3A_6] : memref<128x128xf32, #tpu.memory_space<vmem>>, vector<128x128xf32>
      %get3A_8 = arith.constant 0 : index
      %get3A_9 = arith.constant 0 : index
      %get3A_10 = vector.load %arg2[%get3A_8, %get3A_9] : memref<128x128xf32, #tpu.memory_space<vmem>>, vector<128x128xf32>
      %get3A_11 = arith.constant 0 : index
      %get3A_12 = arith.constant 0 : index
      %get3A_13 = vector.load %arg3[%get3A_11, %get3A_12] : memref<128x128xf32, #tpu.memory_space<vmem>>, vector<128x128xf32>
      %broadcast_in_dim3A = arith.constant 0.000000e+00 : f32
      %broadcast_in_dim3A_14 = vector.broadcast %broadcast_in_dim3A : f32 to vector<3x16x128xf32>
      %swap3A = arith.constant 0 : index
      %swap3A_15 = arith.constant 0 : index
      %swap3A_16 = arith.constant 0 : index
      %swap3A_17 = vector.load %arg13[%swap3A, %swap3A_15, %swap3A_16] : memref<3x16x128xf32, #tpu.memory_space<vmem>>, vector<3x16x128xf32>
      tpu.vector_store %arg13[%swap3A, %swap3A_15, %swap3A_16], %broadcast_in_dim3A_14 {strides = array<i32>} : memref<3x16x128xf32, #tpu.memory_space<vmem>>, vector<3x16x128xf32>,
      %iota3A = tpu.iota {dimensions = array<i32: 1>} : vector<1x128xi32>
      %slice3A = vector.extract_strided_slice %get3A_7 {offsets = [0, 0], sizes = [1, 1], strides = [1, 1]} : vector<128x128xf32> to vector<1x1xf32>
      %squeeze3A = vector.extract %slice3A[0, 0] : f32 from vector<1x1xf32>
      %slice3A_18 = vector.extract_strided_slice %get3A_10 {offsets = [0, 0], sizes = [1, 1], strides = [1, 1]} : vector<128x128xf32> to vector<1x1xf32>
      %squeeze3A_19 = vector.extract %slice3A_18[0, 0] : f32 from vector<1x1xf32>
      %slice3A_20 = vector.extract_strided_slice %get3A_13 {offsets = [0, 0], sizes = [1, 1], strides = [1, 1]} : vector<128x128xf32> to vector<1x1xf32>
      %squeeze3A_21 = vector.extract %slice3A_20[0, 0] : f32 from vector<1x1xf32>
      %swap3A_22 = arith.constant 0 : i32
      %swap3A_23 = arith.constant 0 : index
      %swap3A_24 = memref.load %arg10[%swap3A_23] : memref<1664xi32, #tpu.memory_space<smem>>
      memref.store %swap3A_22, %arg10[%swap3A_23] : memref<1664xi32, #tpu.memory_space<smem>>
      %eq3A_25 = arith.constant 0 : i32
      %eq3A_26 = vector.broadcast %eq3A_25 : i32 to vector<1x128xi32>
      %eq3A_27 = arith.cmpi eq, %iota3A, %eq3A_26 : vector<1x128xi32>
      %jit3A = arith.constant 0.000000e+00 : f32
      %broadcast_in_dim3A_28 = vector.broadcast %squeeze3A : f32 to vector<1x128xf32>
      %broadcast_in_dim3A_29 = vector.broadcast %jit3A : f32 to vector<1x128xf32>
      %select_n3A = arith.select %eq3A_27, %broadcast_in_dim3A_28, %broadcast_in_dim3A_29 : vector<1x128xi1>, vector<1x128xf32>
      %swap3A_30 = arith.constant 0 : index
      %swap3A_31 = arith.constant 0 : index
      %swap3A_32 = arith.constant 0 : index
      %swap3A_33 = vector.load %arg13[%swap3A_30, %swap3A_31, %swap3A_32] : memref<3x16x128xf32, #tpu.memory_space<vmem>>, vector<1x1x128xf32>
      %swap3A_34 = vector.shape_cast %swap3A_33 : vector<1x1x128xf32> to vector<1x128xf32>
      %swap3A_35 = vector.shape_cast %select_n3A : vector<1x128xf32> to vector<1x1x128xf32>
      tpu.vector_store %arg13[%swap3A_30, %swap3A_31, %swap3A_32], %swap3A_35 {strides = array<i32>} : memref<3x16x128xf32, #tpu.memory_space<vmem>>, vector<1x1x128xf32>,
      %jit3A_36 = arith.constant 0.000000e+00 : f32
      %broadcast_in_dim3A_37 = vector.broadcast %squeeze3A_19 : f32 to vector<1x128xf32>
      %broadcast_in_dim3A_38 = vector.broadcast %jit3A_36 : f32 to vector<1x128xf32>
      %select_n3A_39 = arith.select %eq3A_27, %broadcast_in_dim3A_37, %broadcast_in_dim3A_38 : vector<1x128xi1>, vector<1x128xf32>
      %swap3A_40 = arith.constant 1 : index
      %swap3A_41 = arith.constant 0 : index
      %swap3A_42 = arith.constant 0 : index
      %swap3A_43 = vector.load %arg13[%swap3A_40, %swap3A_41, %swap3A_42] : memref<3x16x128xf32, #tpu.memory_space<vmem>>, vector<1x1x128xf32>
      %swap3A_44 = vector.shape_cast %swap3A_43 : vector<1x1x128xf32> to vector<1x128xf32>
      %swap3A_45 = vector.shape_cast %select_n3A_39 : vector<1x128xf32> to vector<1x1x128xf32>
      tpu.vector_store %arg13[%swap3A_40, %swap3A_41, %swap3A_42], %swap3A_45 {strides = array<i32>} : memref<3x16x128xf32, #tpu.memory_space<vmem>>, vector<1x1x128xf32>,
      %jit3A_46 = arith.constant 0.000000e+00 : f32
      %broadcast_in_dim3A_47 = vector.broadcast %squeeze3A_21 : f32 to vector<1x128xf32>
      %broadcast_in_dim3A_48 = vector.broadcast %jit3A_46 : f32 to vector<1x128xf32>
      %select_n3A_49 = arith.select %eq3A_27, %broadcast_in_dim3A_47, %broadcast_in_dim3A_48 : vector<1x128xi1>, vector<1x128xf32>
      %swap3A_50 = arith.constant 2 : index
      %swap3A_51 = arith.constant 0 : index
      %swap3A_52 = arith.constant 0 : index
      %swap3A_53 = vector.load %arg13[%swap3A_50, %swap3A_51, %swap3A_52] : memref<3x16x128xf32, #tpu.memory_space<vmem>>, vector<1x1x128xf32>
      %swap3A_54 = vector.shape_cast %swap3A_53 : vector<1x1x128xf32> to vector<1x128xf32>
      %swap3A_55 = vector.shape_cast %select_n3A_49 : vector<1x128xf32> to vector<1x1x128xf32>
      tpu.vector_store %arg13[%swap3A_50, %swap3A_51, %swap3A_52], %swap3A_55 {strides = array<i32>} : memref<3x16x128xf32, #tpu.memory_space<vmem>>, vector<1x1x128xf32>,
      %sub3A = vector.broadcast %squeeze3A : f32 to vector<128x128xf32>
      %sub3A_56 = arith.subf %get3A_7, %sub3A : vector<128x128xf32>
      %sub3A_57 = vector.broadcast %squeeze3A_19 : f32 to vector<128x128xf32>
      %sub3A_58 = arith.subf %get3A_10, %sub3A_57 : vector<128x128xf32>
      %sub3A_59 = vector.broadcast %squeeze3A_21 : f32 to vector<128x128xf32>
      %sub3A_60 = arith.subf %get3A_13, %sub3A_59 : vector<128x128xf32>
      %mul3A = arith.mulf %sub3A_56, %sub3A_56 : vector<128x128xf32>
      %mul3A_61 = arith.mulf %sub3A_58, %sub3A_58 : vector<128x128xf32>
      %add3A = arith.addf %mul3A, %mul3A_61 : vector<128x128xf32>
      %mul3A_62 = arith.mulf %sub3A_60, %sub3A_60 : vector<128x128xf32>
      %add3A_63 = arith.addf %add3A, %mul3A_62 : vector<128x128xf32>
      %scan3A = arith.constant 1639 : i32
      %scan3A_64 = arith.constant 25 : i32
      %scan3A_65 = arith.addi %scan3A, %scan3A_64 : i32
      %scan3A_66 = arith.constant 1 : i32
      scf.for %scan3A_84 = %scan3A to %scan3A_65 step %scan3A_66  : i32 {
        %swap3A_85 = arith.constant 0 : i32
        %swap3A_86 = arith.index_cast %scan3A_84 : i32 to index
        %swap3A_87 = memref.load %arg10[%swap3A_86] : memref<1664xi32, #tpu.memory_space<smem>>
        memref.store %swap3A_85, %arg10[%swap3A_86] : memref<1664xi32, #tpu.memory_space<smem>>
      }
      %scan3A_67 = arith.constant 25 : i32
      %iota3A_68 = tpu.iota {dimensions = array<i32: 0>} : vector<128x128xi32>
      %mul3A_69 = arith.constant 128 : i32
      %mul3A_70 = vector.broadcast %mul3A_69 : i32 to vector<128x128xi32>
      %mul3A_71 = arith.muli %iota3A_68, %mul3A_70 : vector<128x128xi32>
      %iota3A_72 = tpu.iota {dimensions = array<i32: 1>} : vector<128x128xi32>
      %add3A_73 = arith.addi %mul3A_71, %iota3A_72 : vector<128x128xi32>
      %convert_element_type3A_74 = arith.sitofp %add3A_73 : vector<128x128xi32> to vector<128x128xf32>
      %swap3A_75 = arith.constant 0 : index
      %swap3A_76 = arith.constant 0 : index
      %swap3A_77 = vector.load %arg14[%swap3A_75, %swap3A_76] : memref<128x128xf32, #tpu.memory_space<vmem>>, vector<128x128xf32>
      tpu.vector_store %arg14[%swap3A_75, %swap3A_76], %convert_element_type3A_74 {strides = array<i32>} : memref<128x128xf32, #tpu.memory_space<vmem>>, vector<128x128xf32>,
      %scan3A_78 = arith.constant 1 : i32
      %scan3A_79 = arith.constant 1638 : i32
      %scan3A_80 = arith.addi %scan3A_78, %scan3A_79 : i32
      %scan3A_81 = arith.constant 1 : i32
      %scan3A_82 = scf.for %scan3A_84 = %scan3A_78 to %scan3A_80 step %scan3A_81 iter_args(%scan3A_85 = %add3A_63) -> (vector<128x128xf32>)  : i32 {
        %get3A_86 = arith.constant 0 : index
        %get3A_87 = arith.constant 0 : index
        %get3A_88 = vector.load %arg14[%get3A_86, %get3A_87] : memref<128x128xf32, #tpu.memory_space<vmem>>, vector<128x128xf32>
        %slice3A_89 = vector.extract_strided_slice %scan3A_85 {offsets = [0, 0], sizes = [64, 128], strides = [1, 1]} : vector<128x128xf32> to vector<64x128xf32>
        %slice3A_90 = vector.extract_strided_slice %scan3A_85 {offsets = [64, 0], sizes = [64, 128], strides = [1, 1]} : vector<128x128xf32> to vector<64x128xf32>
        %slice3A_91 = vector.extract_strided_slice %get3A_88 {offsets = [0, 0], sizes = [64, 128], strides = [1, 1]} : vector<128x128xf32> to vector<64x128xf32>
        %slice3A_92 = vector.extract_strided_slice %get3A_88 {offsets = [64, 0], sizes = [64, 128], strides = [1, 1]} : vector<128x128xf32> to vector<64x128xf32>
        %gt3A_93 = arith.cmpf ogt, %slice3A_89, %slice3A_90 : vector<64x128xf32>
        %eq3A_94 = arith.cmpf oeq, %slice3A_89, %slice3A_90 : vector<64x128xf32>
        %lt3A = arith.cmpf olt, %slice3A_91, %slice3A_92 : vector<64x128xf32>
        %and3A = arith.andi %eq3A_94, %lt3A : vector<64x128xi1>
        %or3A = arith.ori %gt3A_93, %and3A : vector<64x128xi1>
        %select_n3A_95 = arith.select %or3A, %slice3A_89, %slice3A_90 : vector<64x128xi1>, vector<64x128xf32>
        %select_n3A_96 = arith.select %or3A, %slice3A_91, %slice3A_92 : vector<64x128xi1>, vector<64x128xf32>
        %slice3A_97 = vector.extract_strided_slice %select_n3A_95 {offsets = [0, 0], sizes = [32, 128], strides = [1, 1]} : vector<64x128xf32> to vector<32x128xf32>
        %slice3A_98 = vector.extract_strided_slice %select_n3A_95 {offsets = [32, 0], sizes = [32, 128], strides = [1, 1]} : vector<64x128xf32> to vector<32x128xf32>
        %slice3A_99 = vector.extract_strided_slice %select_n3A_96 {offsets = [0, 0], sizes = [32, 128], strides = [1, 1]} : vector<64x128xf32> to vector<32x128xf32>
        %slice3A_100 = vector.extract_strided_slice %select_n3A_96 {offsets = [32, 0], sizes = [32, 128], strides = [1, 1]} : vector<64x128xf32> to vector<32x128xf32>
        %gt3A_101 = arith.cmpf ogt, %slice3A_97, %slice3A_98 : vector<32x128xf32>
        %eq3A_102 = arith.cmpf oeq, %slice3A_97, %slice3A_98 : vector<32x128xf32>
        %lt3A_103 = arith.cmpf olt, %slice3A_99, %slice3A_100 : vector<32x128xf32>
        %and3A_104 = arith.andi %eq3A_102, %lt3A_103 : vector<32x128xi1>
        %or3A_105 = arith.ori %gt3A_101, %and3A_104 : vector<32x128xi1>
        %select_n3A_106 = arith.select %or3A_105, %slice3A_97, %slice3A_98 : vector<32x128xi1>, vector<32x128xf32>
        %select_n3A_107 = arith.select %or3A_105, %slice3A_99, %slice3A_100 : vector<32x128xi1>, vector<32x128xf32>
        %slice3A_108 = vector.extract_strided_slice %select_n3A_106 {offsets = [0, 0], sizes = [16, 128], strides = [1, 1]} : vector<32x128xf32> to vector<16x128xf32>
        %slice3A_109 = vector.extract_strided_slice %select_n3A_106 {offsets = [16, 0], sizes = [16, 128], strides = [1, 1]} : vector<32x128xf32> to vector<16x128xf32>
        %slice3A_110 = vector.extract_strided_slice %select_n3A_107 {offsets = [0, 0], sizes = [16, 128], strides = [1, 1]} : vector<32x128xf32> to vector<16x128xf32>
        %slice3A_111 = vector.extract_strided_slice %select_n3A_107 {offsets = [16, 0], sizes = [16, 128], strides = [1, 1]} : vector<32x128xf32> to vector<16x128xf32>
        %gt3A_112 = arith.cmpf ogt, %slice3A_108, %slice3A_109 : vector<16x128xf32>
        %eq3A_113 = arith.cmpf oeq, %slice3A_108, %slice3A_109 : vector<16x128xf32>
        %lt3A_114 = arith.cmpf olt, %slice3A_110, %slice3A_111 : vector<16x128xf32>
        %and3A_115 = arith.andi %eq3A_113, %lt3A_114 : vector<16x128xi1>
        %or3A_116 = arith.ori %gt3A_112, %and3A_115 : vector<16x128xi1>
        %select_n3A_117 = arith.select %or3A_116, %slice3A_108, %slice3A_109 : vector<16x128xi1>, vector<16x128xf32>
        %select_n3A_118 = arith.select %or3A_116, %slice3A_110, %slice3A_111 : vector<16x128xi1>, vector<16x128xf32>
        %slice3A_119 = vector.extract_strided_slice %select_n3A_117 {offsets = [0, 0], sizes = [8, 128], strides = [1, 1]} : vector<16x128xf32> to vector<8x128xf32>
        %slice3A_120 = vector.extract_strided_slice %select_n3A_117 {offsets = [8, 0], sizes = [8, 128], strides = [1, 1]} : vector<16x128xf32> to vector<8x128xf32>
        %slice3A_121 = vector.extract_strided_slice %select_n3A_118 {offsets = [0, 0], sizes = [8, 128], strides = [1, 1]} : vector<16x128xf32> to vector<8x128xf32>
        %slice3A_122 = vector.extract_strided_slice %select_n3A_118 {offsets = [8, 0], sizes = [8, 128], strides = [1, 1]} : vector<16x128xf32> to vector<8x128xf32>
        %gt3A_123 = arith.cmpf ogt, %slice3A_119, %slice3A_120 : vector<8x128xf32>
        %eq3A_124 = arith.cmpf oeq, %slice3A_119, %slice3A_120 : vector<8x128xf32>
        %lt3A_125 = arith.cmpf olt, %slice3A_121, %slice3A_122 : vector<8x128xf32>
        %and3A_126 = arith.andi %eq3A_124, %lt3A_125 : vector<8x128xi1>
        %or3A_127 = arith.ori %gt3A_123, %and3A_126 : vector<8x128xi1>
        %select_n3A_128 = arith.select %or3A_127, %slice3A_119, %slice3A_120 : vector<8x128xi1>, vector<8x128xf32>
        %select_n3A_129 = arith.select %or3A_127, %slice3A_121, %slice3A_122 : vector<8x128xi1>, vector<8x128xf32>
        %slice3A_130 = vector.extract_strided_slice %select_n3A_128 {offsets = [0, 0], sizes = [4, 128], strides = [1, 1]} : vector<8x128xf32> to vector<4x128xf32>
        %slice3A_131 = vector.extract_strided_slice %select_n3A_128 {offsets = [4, 0], sizes = [4, 128], strides = [1, 1]} : vector<8x128xf32> to vector<4x128xf32>
        %slice3A_132 = vector.extract_strided_slice %select_n3A_129 {offsets = [0, 0], sizes = [4, 128], strides = [1, 1]} : vector<8x128xf32> to vector<4x128xf32>
        %slice3A_133 = vector.extract_strided_slice %select_n3A_129 {offsets = [4, 0], sizes = [4, 128], strides = [1, 1]} : vector<8x128xf32> to vector<4x128xf32>
        %gt3A_134 = arith.cmpf ogt, %slice3A_130, %slice3A_131 : vector<4x128xf32>
        %eq3A_135 = arith.cmpf oeq, %slice3A_130, %slice3A_131 : vector<4x128xf32>
        %lt3A_136 = arith.cmpf olt, %slice3A_132, %slice3A_133 : vector<4x128xf32>
        %and3A_137 = arith.andi %eq3A_135, %lt3A_136 : vector<4x128xi1>
        %or3A_138 = arith.ori %gt3A_134, %and3A_137 : vector<4x128xi1>
        %select_n3A_139 = arith.select %or3A_138, %slice3A_130, %slice3A_131 : vector<4x128xi1>, vector<4x128xf32>
        %select_n3A_140 = arith.select %or3A_138, %slice3A_132, %slice3A_133 : vector<4x128xi1>, vector<4x128xf32>
        %slice3A_141 = vector.extract_strided_slice %select_n3A_139 {offsets = [0, 0], sizes = [2, 128], strides = [1, 1]} : vector<4x128xf32> to vector<2x128xf32>
        %slice3A_142 = vector.extract_strided_slice %select_n3A_139 {offsets = [2, 0], sizes = [2, 128], strides = [1, 1]} : vector<4x128xf32> to vector<2x128xf32>
        %slice3A_143 = vector.extract_strided_slice %select_n3A_140 {offsets = [0, 0], sizes = [2, 128], strides = [1, 1]} : vector<4x128xf32> to vector<2x128xf32>
        %slice3A_144 = vector.extract_strided_slice %select_n3A_140 {offsets = [2, 0], sizes = [2, 128], strides = [1, 1]} : vector<4x128xf32> to vector<2x128xf32>
        %gt3A_145 = arith.cmpf ogt, %slice3A_141, %slice3A_142 : vector<2x128xf32>
        %eq3A_146 = arith.cmpf oeq, %slice3A_141, %slice3A_142 : vector<2x128xf32>
        %lt3A_147 = arith.cmpf olt, %slice3A_143, %slice3A_144 : vector<2x128xf32>
        %and3A_148 = arith.andi %eq3A_146, %lt3A_147 : vector<2x128xi1>
        %or3A_149 = arith.ori %gt3A_145, %and3A_148 : vector<2x128xi1>
        %select_n3A_150 = arith.select %or3A_149, %slice3A_141, %slice3A_142 : vector<2x128xi1>, vector<2x128xf32>
        %select_n3A_151 = arith.select %or3A_149, %slice3A_143, %slice3A_144 : vector<2x128xi1>, vector<2x128xf32>
        %slice3A_152 = vector.extract_strided_slice %select_n3A_150 {offsets = [0, 0], sizes = [1, 128], strides = [1, 1]} : vector<2x128xf32> to vector<1x128xf32>
        %slice3A_153 = vector.extract_strided_slice %select_n3A_150 {offsets = [1, 0], sizes = [1, 128], strides = [1, 1]} : vector<2x128xf32> to vector<1x128xf32>
        %slice3A_154 = vector.extract_strided_slice %select_n3A_151 {offsets = [0, 0], sizes = [1, 128], strides = [1, 1]} : vector<2x128xf32> to vector<1x128xf32>
        %slice3A_155 = vector.extract_strided_slice %select_n3A_151 {offsets = [1, 0], sizes = [1, 128], strides = [1, 1]} : vector<2x128xf32> to vector<1x128xf32>
        %gt3A_156 = arith.cmpf ogt, %slice3A_152, %slice3A_153 : vector<1x128xf32>
        %eq3A_157 = arith.cmpf oeq, %slice3A_152, %slice3A_153 : vector<1x128xf32>
        %lt3A_158 = arith.cmpf olt, %slice3A_154, %slice3A_155 : vector<1x128xf32>
        %and3A_159 = arith.andi %eq3A_157, %lt3A_158 : vector<1x128xi1>
        %or3A_160 = arith.ori %gt3A_156, %and3A_159 : vector<1x128xi1>
        %select_n3A_161 = arith.select %or3A_160, %slice3A_152, %slice3A_153 : vector<1x128xi1>, vector<1x128xf32>
        %select_n3A_162 = arith.select %or3A_160, %slice3A_154, %slice3A_155 : vector<1x128xi1>, vector<1x128xf32>
        %reduce_max3A = arith.constant dense<0xFF800000> : vector<1xf32>
        %reduce_max3A_163 = vector.multi_reduction <maximumf>, %select_n3A_161, %reduce_max3A [1] : vector<1x128xf32> to vector<1xf32>
        %broadcast_in_dim3A_164 = vector.shape_cast %reduce_max3A_163 : vector<1xf32> to vector<1x1xf32>
        %eq3A_165 = vector.broadcast %broadcast_in_dim3A_164 : vector<1x1xf32> to vector<1x128xf32>
        %eq3A_166 = arith.cmpf oeq, %select_n3A_161, %eq3A_165 : vector<1x128xf32>
        %jit3A_167 = arith.constant 3.000000e+07 : f32
        %broadcast_in_dim3A_168 = vector.broadcast %jit3A_167 : f32 to vector<1x128xf32>
        %select_n3A_169 = arith.select %eq3A_166, %select_n3A_162, %broadcast_in_dim3A_168 : vector<1x128xi1>, vector<1x128xf32>
        %reduce_min3A = vector.shape_cast %select_n3A_169 : vector<1x128xf32> to vector<1x1x128xf32>
        %reduce_min3A_170 = arith.constant dense<0x7F800000> : vector<1xf32>
        %reduce_min3A_171 = vector.multi_reduction <minimumf>, %reduce_min3A, %reduce_min3A_170 [1, 2] : vector<1x1x128xf32> to vector<1xf32>
        %reduce_min3A_172 = vector.shape_cast %reduce_min3A_171 : vector<1xf32> to vector<1x1x1xf32>
        %reduce_min3A_173 = vector.extract %reduce_min3A_172[0, 0, 0] : f32 from vector<1x1x1xf32>
        %convert_element_type3A_174 = arith.fptosi %reduce_min3A_173 : f32 to i32
        %swap3A_175 = arith.index_cast %scan3A_84 : i32 to index
        %swap3A_176 = memref.load %arg10[%swap3A_175] : memref<1664xi32, #tpu.memory_space<smem>>
        memref.store %convert_element_type3A_174, %arg10[%swap3A_175] : memref<1664xi32, #tpu.memory_space<smem>>
        %get3A_177 = arith.index_cast %convert_element_type3A_174 : i32 to index
        %get3A_178 = memref.load %arg4[%get3A_177] : memref<16384xf32, #tpu.memory_space<smem>>
        %get3A_179 = arith.index_cast %convert_element_type3A_174 : i32 to index
        %get3A_180 = memref.load %arg5[%get3A_179] : memref<16384xf32, #tpu.memory_space<smem>>
        %get3A_181 = arith.index_cast %convert_element_type3A_174 : i32 to index
        %get3A_182 = memref.load %arg6[%get3A_181] : memref<16384xf32, #tpu.memory_space<smem>>
        %shift_right_arithmetic3A = arith.constant 7 : i32
        %shift_right_arithmetic3A_183 = arith.shrsi %scan3A_84, %shift_right_arithmetic3A : i32
        %and3A_184 = arith.constant 127 : i32
        %and3A_185 = arith.andi %scan3A_84, %and3A_184 : i32
        %eq3A_186 = vector.broadcast %and3A_185 : i32 to vector<1x128xi32>
        %eq3A_187 = arith.cmpi eq, %iota3A, %eq3A_186 : vector<1x128xi32>
        %get3A_188 = arith.constant 0 : index
        %get3A_189 = arith.index_cast %shift_right_arithmetic3A_183 : i32 to index
        %get3A_190 = arith.constant 0 : index
        %get3A_191 = vector.load %arg13[%get3A_188, %get3A_189, %get3A_190] : memref<3x16x128xf32, #tpu.memory_space<vmem>>, vector<1x1x128xf32>
        %get3A_192 = vector.shape_cast %get3A_191 : vector<1x1x128xf32> to vector<1x128xf32>
        %broadcast_in_dim3A_193 = vector.broadcast %get3A_178 : f32 to vector<1x128xf32>
        %select_n3A_194 = arith.select %eq3A_187, %broadcast_in_dim3A_193, %get3A_192 : vector<1x128xi1>, vector<1x128xf32>
        %swap3A_195 = arith.constant 0 : index
        %swap3A_196 = arith.index_cast %shift_right_arithmetic3A_183 : i32 to index
        %swap3A_197 = arith.constant 0 : index
        %swap3A_198 = vector.load %arg13[%swap3A_195, %swap3A_196, %swap3A_197] : memref<3x16x128xf32, #tpu.memory_space<vmem>>, vector<1x1x128xf32>
        %swap3A_199 = vector.shape_cast %swap3A_198 : vector<1x1x128xf32> to vector<1x128xf32>
        %swap3A_200 = vector.shape_cast %select_n3A_194 : vector<1x128xf32> to vector<1x1x128xf32>
        tpu.vector_store %arg13[%swap3A_195, %swap3A_196, %swap3A_197], %swap3A_200 {strides = array<i32>} : memref<3x16x128xf32, #tpu.memory_space<vmem>>, vector<1x1x128xf32>,
        %get3A_201 = arith.constant 1 : index
        %get3A_202 = arith.index_cast %shift_right_arithmetic3A_183 : i32 to index
        %get3A_203 = arith.constant 0 : index
        %get3A_204 = vector.load %arg13[%get3A_201, %get3A_202, %get3A_203] : memref<3x16x128xf32, #tpu.memory_space<vmem>>, vector<1x1x128xf32>
        %get3A_205 = vector.shape_cast %get3A_204 : vector<1x1x128xf32> to vector<1x128xf32>
        %broadcast_in_dim3A_206 = vector.broadcast %get3A_180 : f32 to vector<1x128xf32>
        %select_n3A_207 = arith.select %eq3A_187, %broadcast_in_dim3A_206, %get3A_205 : vector<1x128xi1>, vector<1x128xf32>
        %swap3A_208 = arith.constant 1 : index
        %swap3A_209 = arith.index_cast %shift_right_arithmetic3A_183 : i32 to index
        %swap3A_210 = arith.constant 0 : index
        %swap3A_211 = vector.load %arg13[%swap3A_208, %swap3A_209, %swap3A_210] : memref<3x16x128xf32, #tpu.memory_space<vmem>>, vector<1x1x128xf32>
        %swap3A_212 = vector.shape_cast %swap3A_211 : vector<1x1x128xf32> to vector<1x128xf32>
        %swap3A_213 = vector.shape_cast %select_n3A_207 : vector<1x128xf32> to vector<1x1x128xf32>
        tpu.vector_store %arg13[%swap3A_208, %swap3A_209, %swap3A_210], %swap3A_213 {strides = array<i32>} : memref<3x16x128xf32, #tpu.memory_space<vmem>>, vector<1x1x128xf32>,
        %get3A_214 = arith.constant 2 : index
        %get3A_215 = arith.index_cast %shift_right_arithmetic3A_183 : i32 to index
        %get3A_216 = arith.constant 0 : index
        %get3A_217 = vector.load %arg13[%get3A_214, %get3A_215, %get3A_216] : memref<3x16x128xf32, #tpu.memory_space<vmem>>, vector<1x1x128xf32>
        %get3A_218 = vector.shape_cast %get3A_217 : vector<1x1x128xf32> to vector<1x128xf32>
        %broadcast_in_dim3A_219 = vector.broadcast %get3A_182 : f32 to vector<1x128xf32>
        %select_n3A_220 = arith.select %eq3A_187, %broadcast_in_dim3A_219, %get3A_218 : vector<1x128xi1>, vector<1x128xf32>
        %swap3A_221 = arith.constant 2 : index
        %swap3A_222 = arith.index_cast %shift_right_arithmetic3A_183 : i32 to index
        %swap3A_223 = arith.constant 0 : index
        %swap3A_224 = vector.load %arg13[%swap3A_221, %swap3A_222, %swap3A_223] : memref<3x16x128xf32, #tpu.memory_space<vmem>>, vector<1x1x128xf32>
        %swap3A_225 = vector.shape_cast %swap3A_224 : vector<1x1x128xf32> to vector<1x128xf32>
        %swap3A_226 = vector.shape_cast %select_n3A_220 : vector<1x128xf32> to vector<1x1x128xf32>
        tpu.vector_store %arg13[%swap3A_221, %swap3A_222, %swap3A_223], %swap3A_226 {strides = array<i32>} : memref<3x16x128xf32, #tpu.memory_space<vmem>>, vector<1x1x128xf32>,
        %get3A_227 = arith.constant 0 : index
        %get3A_228 = arith.constant 0 : index
        %get3A_229 = vector.load %arg1[%get3A_227, %get3A_228] : memref<128x128xf32, #tpu.memory_space<vmem>>, vector<128x128xf32>
        %sub3A_230 = vector.broadcast %get3A_178 : f32 to vector<128x128xf32>
        %sub3A_231 = arith.subf %get3A_229, %sub3A_230 : vector<128x128xf32>
        %get3A_232 = arith.constant 0 : index
        %get3A_233 = arith.constant 0 : index
        %get3A_234 = vector.load %arg2[%get3A_232, %get3A_233] : memref<128x128xf32, #tpu.memory_space<vmem>>, vector<128x128xf32>
        %sub3A_235 = vector.broadcast %get3A_180 : f32 to vector<128x128xf32>
        %sub3A_236 = arith.subf %get3A_234, %sub3A_235 : vector<128x128xf32>
        %get3A_237 = arith.constant 0 : index
        %get3A_238 = arith.constant 0 : index
        %get3A_239 = vector.load %arg3[%get3A_237, %get3A_238] : memref<128x128xf32, #tpu.memory_space<vmem>>, vector<128x128xf32>
        %sub3A_240 = vector.broadcast %get3A_182 : f32 to vector<128x128xf32>
        %sub3A_241 = arith.subf %get3A_239, %sub3A_240 : vector<128x128xf32>
        %mul3A_242 = arith.mulf %sub3A_231, %sub3A_231 : vector<128x128xf32>
        %mul3A_243 = arith.mulf %sub3A_236, %sub3A_236 : vector<128x128xf32>
        %add3A_244 = arith.addf %mul3A_242, %mul3A_243 : vector<128x128xf32>
        %mul3A_245 = arith.mulf %sub3A_241, %sub3A_241 : vector<128x128xf32>
        %add3A_246 = arith.addf %add3A_244, %mul3A_245 : vector<128x128xf32>
        %min3A = arith.minimumf %scan3A_85, %add3A_246 : vector<128x128xf32>
        scf.yield %min3A : vector<128x128xf32>
      }
      %scan3A_83 = arith.constant 1638 : i32
    } else {
    }
    %gt3A = arith.constant 0 : i32
    %gt3A_2 = arith.cmpi sgt, %arg0, %gt3A : i32
    %convert_element_type3A_3 = arith.extui %gt3A_2 : i1 to i32
    %cond3A_4 = arith.constant 0 : i32
    %cond3A_5 = arith.cmpi ne, %convert_element_type3A_3, %cond3A_4 : i32
    scf.if %cond3A_5 {
      %sub3A = arith.constant 1 : i32
      %sub3A_6 = arith.subi %arg0, %sub3A : i32
      %get3A = arith.constant 0 : index
      %get3A_7 = arith.index_cast %sub3A_6 : i32 to index
      %get3A_8 = arith.constant 0 : index
      %get3A_9 = vector.load %arg13[%get3A, %get3A_7, %get3A_8] : memref<3x16x128xf32, #tpu.memory_space<vmem>>, vector<1x1x128xf32>
      %get3A_10 = vector.shape_cast %get3A_9 : vector<1x1x128xf32> to vector<1x128xf32>
      %reshape3A = vector.shape_cast %get3A_10 : vector<1x128xf32> to vector<128x1xf32>
      %get3A_11 = arith.constant 1 : index
      %get3A_12 = arith.index_cast %sub3A_6 : i32 to index
      %get3A_13 = arith.constant 0 : index
      %get3A_14 = vector.load %arg13[%get3A_11, %get3A_12, %get3A_13] : memref<3x16x128xf32, #tpu.memory_space<vmem>>, vector<1x1x128xf32>
      %get3A_15 = vector.shape_cast %get3A_14 : vector<1x1x128xf32> to vector<1x128xf32>
      %reshape3A_16 = vector.shape_cast %get3A_15 : vector<1x128xf32> to vector<128x1xf32>
      %get3A_17 = arith.constant 2 : index
      %get3A_18 = arith.index_cast %sub3A_6 : i32 to index
      %get3A_19 = arith.constant 0 : index
      %get3A_20 = vector.load %arg13[%get3A_17, %get3A_18, %get3A_19] : memref<3x16x128xf32, #tpu.memory_space<vmem>>, vector<1x1x128xf32>
      %get3A_21 = vector.shape_cast %get3A_20 : vector<1x1x128xf32> to vector<1x128xf32>
      %reshape3A_22 = vector.shape_cast %get3A_21 : vector<1x128xf32> to vector<128x1xf32>
      %get3A_23 = arith.constant 0 : index
      %get3A_24 = arith.constant 0 : index
      %get3A_25 = vector.load %arg7[%get3A_23, %get3A_24] : memref<1x16384xf32, #tpu.memory_space<vmem>>, vector<1x16384xf32>
      %get3A_26 = arith.constant 0 : index
      %get3A_27 = arith.constant 0 : index
      %get3A_28 = vector.load %arg8[%get3A_26, %get3A_27] : memref<1x16384xf32, #tpu.memory_space<vmem>>, vector<1x16384xf32>
      %get3A_29 = arith.constant 0 : index
      %get3A_30 = arith.constant 0 : index
      %get3A_31 = vector.load %arg9[%get3A_29, %get3A_30] : memref<1x16384xf32, #tpu.memory_space<vmem>>, vector<1x16384xf32>
      %sub3A_32 = vector.broadcast %reshape3A : vector<128x1xf32> to vector<128x16384xf32>
      %sub3A_33 = vector.broadcast %get3A_25 : vector<1x16384xf32> to vector<128x16384xf32>
      %sub3A_34 = arith.subf %sub3A_32, %sub3A_33 : vector<128x16384xf32>
      %sub3A_35 = vector.broadcast %reshape3A_16 : vector<128x1xf32> to vector<128x16384xf32>
      %sub3A_36 = vector.broadcast %get3A_28 : vector<1x16384xf32> to vector<128x16384xf32>
      %sub3A_37 = arith.subf %sub3A_35, %sub3A_36 : vector<128x16384xf32>
      %sub3A_38 = vector.broadcast %reshape3A_22 : vector<128x1xf32> to vector<128x16384xf32>
      %sub3A_39 = vector.broadcast %get3A_31 : vector<1x16384xf32> to vector<128x16384xf32>
      %sub3A_40 = arith.subf %sub3A_38, %sub3A_39 : vector<128x16384xf32>
      %mul3A = arith.mulf %sub3A_34, %sub3A_34 : vector<128x16384xf32>
      %mul3A_41 = arith.mulf %sub3A_37, %sub3A_37 : vector<128x16384xf32>
      %add3A = arith.addf %mul3A, %mul3A_41 : vector<128x16384xf32>
      %mul3A_42 = arith.mulf %sub3A_40, %sub3A_40 : vector<128x16384xf32>
      %add3A_43 = arith.addf %add3A, %mul3A_42 : vector<128x16384xf32>
      %reduce_min3A = arith.constant dense<0x7F800000> : vector<128xf32>
      %reduce_min3A_44 = vector.multi_reduction <minimumf>, %add3A_43, %reduce_min3A [1] : vector<128x16384xf32> to vector<128xf32>
      %broadcast_in_dim3A = vector.shape_cast %reduce_min3A_44 : vector<128xf32> to vector<128x1xf32>
      %iota3A = tpu.iota {dimensions = array<i32: 1>} : vector<128x16384xi32>
      %convert_element_type3A_45 = arith.sitofp %iota3A : vector<128x16384xi32> to vector<128x16384xf32>
      %iota3A_46 = tpu.iota {dimensions = array<i32: 1>} : vector<128x8xi32>
      %broadcast_in_dim3A_47 = arith.constant 0 : i32
      %broadcast_in_dim3A_48 = vector.broadcast %broadcast_in_dim3A_47 : i32 to vector<128x8xi32>
      %eq3A_49 = vector.broadcast %broadcast_in_dim3A : vector<128x1xf32> to vector<128x16384xf32>
      %eq3A_50 = arith.cmpf oeq, %add3A_43, %eq3A_49 : vector<128x16384xf32>
      %jit3A = arith.constant 3.000000e+07 : f32
      %broadcast_in_dim3A_51 = vector.broadcast %jit3A : f32 to vector<128x16384xf32>
      %select_n3A = arith.select %eq3A_50, %convert_element_type3A_45, %broadcast_in_dim3A_51 : vector<128x16384xi1>, vector<128x16384xf32>
      %reduce_min3A_52 = arith.constant dense<0x7F800000> : vector<128xf32>
      %reduce_min3A_53 = vector.multi_reduction <minimumf>, %select_n3A, %reduce_min3A_52 [1] : vector<128x16384xf32> to vector<128xf32>
      %broadcast_in_dim3A_54 = vector.shape_cast %reduce_min3A_53 : vector<128xf32> to vector<128x1xf32>
      %eq3A_55 = arith.constant 0 : i32
      %eq3A_56 = vector.broadcast %eq3A_55 : i32 to vector<128x8xi32>
      %eq3A_57 = arith.cmpi eq, %iota3A_46, %eq3A_56 : vector<128x8xi32>
      %convert_element_type3A_58 = arith.fptosi %broadcast_in_dim3A_54 : vector<128x1xf32> to vector<128x1xi32>
      %broadcast_in_dim3A_59 = vector.shape_cast %convert_element_type3A_58 : vector<128x1xi32> to vector<128x1xi32>
      %broadcast_in_dim3A_60 = vector.broadcast %broadcast_in_dim3A_59 : vector<128x1xi32> to vector<128x8xi32>
      %select_n3A_61 = arith.select %eq3A_57, %broadcast_in_dim3A_60, %broadcast_in_dim3A_48 : vector<128x8xi1>, vector<128x8xi32>
      %eq3A_62 = vector.broadcast %broadcast_in_dim3A_54 : vector<128x1xf32> to vector<128x16384xf32>
      %eq3A_63 = arith.cmpf oeq, %convert_element_type3A_45, %eq3A_62 : vector<128x16384xf32>
      %jit3A_64 = arith.constant 0x7F800000 : f32
      %broadcast_in_dim3A_65 = vector.broadcast %jit3A_64 : f32 to vector<128x16384xf32>
      %select_n3A_66 = arith.select %eq3A_63, %broadcast_in_dim3A_65, %add3A_43 : vector<128x16384xi1>, vector<128x16384xf32>
      %swap3A = arith.constant 0 : index
      %swap3A_67 = arith.constant 0 : index
      %swap3A_68 = vector.load %arg12[%swap3A, %swap3A_67] : memref<128x16384xf32, #tpu.memory_space<vmem>>, vector<128x16384xf32>
      tpu.vector_store %arg12[%swap3A, %swap3A_67], %select_n3A_66 {strides = array<i32>} : memref<128x16384xf32, #tpu.memory_space<vmem>>, vector<128x16384xf32>,
      %reduce_min3A_69 = arith.constant dense<0x7F800000> : vector<128xf32>
      %reduce_min3A_70 = vector.multi_reduction <minimumf>, %select_n3A_66, %reduce_min3A_69 [1] : vector<128x16384xf32> to vector<128xf32>
      %broadcast_in_dim3A_71 = vector.shape_cast %reduce_min3A_70 : vector<128xf32> to vector<128x1xf32>
      %get3A_72 = arith.constant 0 : index
      %get3A_73 = arith.constant 0 : index
      %get3A_74 = vector.load %arg12[%get3A_72, %get3A_73] : memref<128x16384xf32, #tpu.memory_space<vmem>>, vector<128x16384xf32>
      %eq3A_75 = vector.broadcast %broadcast_in_dim3A_71 : vector<128x1xf32> to vector<128x16384xf32>
      %eq3A_76 = arith.cmpf oeq, %get3A_74, %eq3A_75 : vector<128x16384xf32>
      %jit3A_77 = arith.constant 3.000000e+07 : f32
      %broadcast_in_dim3A_78 = vector.broadcast %jit3A_77 : f32 to vector<128x16384xf32>
      %select_n3A_79 = arith.select %eq3A_76, %convert_element_type3A_45, %broadcast_in_dim3A_78 : vector<128x16384xi1>, vector<128x16384xf32>
      %reduce_min3A_80 = arith.constant dense<0x7F800000> : vector<128xf32>
      %reduce_min3A_81 = vector.multi_reduction <minimumf>, %select_n3A_79, %reduce_min3A_80 [1] : vector<128x16384xf32> to vector<128xf32>
      %broadcast_in_dim3A_82 = vector.shape_cast %reduce_min3A_81 : vector<128xf32> to vector<128x1xf32>
      %eq3A_83 = arith.constant 1 : i32
      %eq3A_84 = vector.broadcast %eq3A_83 : i32 to vector<128x8xi32>
      %eq3A_85 = arith.cmpi eq, %iota3A_46, %eq3A_84 : vector<128x8xi32>
      %convert_element_type3A_86 = arith.fptosi %broadcast_in_dim3A_82 : vector<128x1xf32> to vector<128x1xi32>
      %broadcast_in_dim3A_87 = vector.shape_cast %convert_element_type3A_86 : vector<128x1xi32> to vector<128x1xi32>
      %broadcast_in_dim3A_88 = vector.broadcast %broadcast_in_dim3A_87 : vector<128x1xi32> to vector<128x8xi32>
      %select_n3A_89 = arith.select %eq3A_85, %broadcast_in_dim3A_88, %select_n3A_61 : vector<128x8xi1>, vector<128x8xi32>
      %eq3A_90 = vector.broadcast %broadcast_in_dim3A_82 : vector<128x1xf32> to vector<128x16384xf32>
      %eq3A_91 = arith.cmpf oeq, %convert_element_type3A_45, %eq3A_90 : vector<128x16384xf32>
      %jit3A_92 = arith.constant 0x7F800000 : f32
      %broadcast_in_dim3A_93 = vector.broadcast %jit3A_92 : f32 to vector<128x16384xf32>
      %select_n3A_94 = arith.select %eq3A_91, %broadcast_in_dim3A_93, %get3A_74 : vector<128x16384xi1>, vector<128x16384xf32>
      %swap3A_95 = arith.constant 0 : index
      %swap3A_96 = arith.constant 0 : index
      %swap3A_97 = vector.load %arg12[%swap3A_95, %swap3A_96] : memref<128x16384xf32, #tpu.memory_space<vmem>>, vector<128x16384xf32>
      tpu.vector_store %arg12[%swap3A_95, %swap3A_96], %select_n3A_94 {strides = array<i32>} : memref<128x16384xf32, #tpu.memory_space<vmem>>, vector<128x16384xf32>,
      %reduce_min3A_98 = arith.constant dense<0x7F800000> : vector<128xf32>
      %reduce_min3A_99 = vector.multi_reduction <minimumf>, %select_n3A_94, %reduce_min3A_98 [1] : vector<128x16384xf32> to vector<128xf32>
      %broadcast_in_dim3A_100 = vector.shape_cast %reduce_min3A_99 : vector<128xf32> to vector<128x1xf32>
      %get3A_101 = arith.constant 0 : index
      %get3A_102 = arith.constant 0 : index
      %get3A_103 = vector.load %arg12[%get3A_101, %get3A_102] : memref<128x16384xf32, #tpu.memory_space<vmem>>, vector<128x16384xf32>
      %eq3A_104 = vector.broadcast %broadcast_in_dim3A_100 : vector<128x1xf32> to vector<128x16384xf32>
      %eq3A_105 = arith.cmpf oeq, %get3A_103, %eq3A_104 : vector<128x16384xf32>
      %jit3A_106 = arith.constant 3.000000e+07 : f32
      %broadcast_in_dim3A_107 = vector.broadcast %jit3A_106 : f32 to vector<128x16384xf32>
      %select_n3A_108 = arith.select %eq3A_105, %convert_element_type3A_45, %broadcast_in_dim3A_107 : vector<128x16384xi1>, vector<128x16384xf32>
      %reduce_min3A_109 = arith.constant dense<0x7F800000> : vector<128xf32>
      %reduce_min3A_110 = vector.multi_reduction <minimumf>, %select_n3A_108, %reduce_min3A_109 [1] : vector<128x16384xf32> to vector<128xf32>
      %broadcast_in_dim3A_111 = vector.shape_cast %reduce_min3A_110 : vector<128xf32> to vector<128x1xf32>
      %eq3A_112 = arith.constant 2 : i32
      %eq3A_113 = vector.broadcast %eq3A_112 : i32 to vector<128x8xi32>
      %eq3A_114 = arith.cmpi eq, %iota3A_46, %eq3A_113 : vector<128x8xi32>
      %convert_element_type3A_115 = arith.fptosi %broadcast_in_dim3A_111 : vector<128x1xf32> to vector<128x1xi32>
      %broadcast_in_dim3A_116 = vector.shape_cast %convert_element_type3A_115 : vector<128x1xi32> to vector<128x1xi32>
      %broadcast_in_dim3A_117 = vector.broadcast %broadcast_in_dim3A_116 : vector<128x1xi32> to vector<128x8xi32>
      %select_n3A_118 = arith.select %eq3A_114, %broadcast_in_dim3A_117, %select_n3A_89 : vector<128x8xi1>, vector<128x8xi32>
      %eq3A_119 = vector.broadcast %broadcast_in_dim3A_111 : vector<128x1xf32> to vector<128x16384xf32>
      %eq3A_120 = arith.cmpf oeq, %convert_element_type3A_45, %eq3A_119 : vector<128x16384xf32>
      %jit3A_121 = arith.constant 0x7F800000 : f32
      %broadcast_in_dim3A_122 = vector.broadcast %jit3A_121 : f32 to vector<128x16384xf32>
      %select_n3A_123 = arith.select %eq3A_120, %broadcast_in_dim3A_122, %get3A_103 : vector<128x16384xi1>, vector<128x16384xf32>
      %swap3A_124 = arith.constant 0 : index
      %swap3A_125 = arith.constant 0 : index
      %swap3A_126 = vector.load %arg12[%swap3A_124, %swap3A_125] : memref<128x16384xf32, #tpu.memory_space<vmem>>, vector<128x16384xf32>
      tpu.vector_store %arg12[%swap3A_124, %swap3A_125], %select_n3A_123 {strides = array<i32>} : memref<128x16384xf32, #tpu.memory_space<vmem>>, vector<128x16384xf32>,
      %reduce_min3A_127 = arith.constant dense<0x7F800000> : vector<128xf32>
      %reduce_min3A_128 = vector.multi_reduction <minimumf>, %select_n3A_123, %reduce_min3A_127 [1] : vector<128x16384xf32> to vector<128xf32>
      %broadcast_in_dim3A_129 = vector.shape_cast %reduce_min3A_128 : vector<128xf32> to vector<128x1xf32>
      %get3A_130 = arith.constant 0 : index
      %get3A_131 = arith.constant 0 : index
      %get3A_132 = vector.load %arg12[%get3A_130, %get3A_131] : memref<128x16384xf32, #tpu.memory_space<vmem>>, vector<128x16384xf32>
      %eq3A_133 = vector.broadcast %broadcast_in_dim3A_129 : vector<128x1xf32> to vector<128x16384xf32>
      %eq3A_134 = arith.cmpf oeq, %get3A_132, %eq3A_133 : vector<128x16384xf32>
      %jit3A_135 = arith.constant 3.000000e+07 : f32
      %broadcast_in_dim3A_136 = vector.broadcast %jit3A_135 : f32 to vector<128x16384xf32>
      %select_n3A_137 = arith.select %eq3A_134, %convert_element_type3A_45, %broadcast_in_dim3A_136 : vector<128x16384xi1>, vector<128x16384xf32>
      %reduce_min3A_138 = arith.constant dense<0x7F800000> : vector<128xf32>
      %reduce_min3A_139 = vector.multi_reduction <minimumf>, %select_n3A_137, %reduce_min3A_138 [1] : vector<128x16384xf32> to vector<128xf32>
      %broadcast_in_dim3A_140 = vector.shape_cast %reduce_min3A_139 : vector<128xf32> to vector<128x1xf32>
      %eq3A_141 = arith.constant 3 : i32
      %eq3A_142 = vector.broadcast %eq3A_141 : i32 to vector<128x8xi32>
      %eq3A_143 = arith.cmpi eq, %iota3A_46, %eq3A_142 : vector<128x8xi32>
      %convert_element_type3A_144 = arith.fptosi %broadcast_in_dim3A_140 : vector<128x1xf32> to vector<128x1xi32>
      %broadcast_in_dim3A_145 = vector.shape_cast %convert_element_type3A_144 : vector<128x1xi32> to vector<128x1xi32>
      %broadcast_in_dim3A_146 = vector.broadcast %broadcast_in_dim3A_145 : vector<128x1xi32> to vector<128x8xi32>
      %select_n3A_147 = arith.select %eq3A_143, %broadcast_in_dim3A_146, %select_n3A_118 : vector<128x8xi1>, vector<128x8xi32>
      %eq3A_148 = vector.broadcast %broadcast_in_dim3A_140 : vector<128x1xf32> to vector<128x16384xf32>
      %eq3A_149 = arith.cmpf oeq, %convert_element_type3A_45, %eq3A_148 : vector<128x16384xf32>
      %jit3A_150 = arith.constant 0x7F800000 : f32
      %broadcast_in_dim3A_151 = vector.broadcast %jit3A_150 : f32 to vector<128x16384xf32>
      %select_n3A_152 = arith.select %eq3A_149, %broadcast_in_dim3A_151, %get3A_132 : vector<128x16384xi1>, vector<128x16384xf32>
      %swap3A_153 = arith.constant 0 : index
      %swap3A_154 = arith.constant 0 : index
      %swap3A_155 = vector.load %arg12[%swap3A_153, %swap3A_154] : memref<128x16384xf32, #tpu.memory_space<vmem>>, vector<128x16384xf32>
      tpu.vector_store %arg12[%swap3A_153, %swap3A_154], %select_n3A_152 {strides = array<i32>} : memref<128x16384xf32, #tpu.memory_space<vmem>>, vector<128x16384xf32>,
      %reduce_min3A_156 = arith.constant dense<0x7F800000> : vector<128xf32>
      %reduce_min3A_157 = vector.multi_reduction <minimumf>, %select_n3A_152, %reduce_min3A_156 [1] : vector<128x16384xf32> to vector<128xf32>
      %broadcast_in_dim3A_158 = vector.shape_cast %reduce_min3A_157 : vector<128xf32> to vector<128x1xf32>
      %get3A_159 = arith.constant 0 : index
      %get3A_160 = arith.constant 0 : index
      %get3A_161 = vector.load %arg12[%get3A_159, %get3A_160] : memref<128x16384xf32, #tpu.memory_space<vmem>>, vector<128x16384xf32>
      %eq3A_162 = vector.broadcast %broadcast_in_dim3A_158 : vector<128x1xf32> to vector<128x16384xf32>
      %eq3A_163 = arith.cmpf oeq, %get3A_161, %eq3A_162 : vector<128x16384xf32>
      %jit3A_164 = arith.constant 3.000000e+07 : f32
      %broadcast_in_dim3A_165 = vector.broadcast %jit3A_164 : f32 to vector<128x16384xf32>
      %select_n3A_166 = arith.select %eq3A_163, %convert_element_type3A_45, %broadcast_in_dim3A_165 : vector<128x16384xi1>, vector<128x16384xf32>
      %reduce_min3A_167 = arith.constant dense<0x7F800000> : vector<128xf32>
      %reduce_min3A_168 = vector.multi_reduction <minimumf>, %select_n3A_166, %reduce_min3A_167 [1] : vector<128x16384xf32> to vector<128xf32>
      %broadcast_in_dim3A_169 = vector.shape_cast %reduce_min3A_168 : vector<128xf32> to vector<128x1xf32>
      %eq3A_170 = arith.constant 4 : i32
      %eq3A_171 = vector.broadcast %eq3A_170 : i32 to vector<128x8xi32>
      %eq3A_172 = arith.cmpi eq, %iota3A_46, %eq3A_171 : vector<128x8xi32>
      %convert_element_type3A_173 = arith.fptosi %broadcast_in_dim3A_169 : vector<128x1xf32> to vector<128x1xi32>
      %broadcast_in_dim3A_174 = vector.shape_cast %convert_element_type3A_173 : vector<128x1xi32> to vector<128x1xi32>
      %broadcast_in_dim3A_175 = vector.broadcast %broadcast_in_dim3A_174 : vector<128x1xi32> to vector<128x8xi32>
      %select_n3A_176 = arith.select %eq3A_172, %broadcast_in_dim3A_175, %select_n3A_147 : vector<128x8xi1>, vector<128x8xi32>
      %swap3A_177 = arith.constant 0 : index
      %swap3A_178 = arith.constant 0 : index
      %swap3A_179 = arith.constant 0 : index
      %swap3A_180 = vector.load %arg11[%swap3A_177, %swap3A_178, %swap3A_179] : memref<1x128x8xi32, #tpu.memory_space<vmem>>, vector<1x128x8xi32>
      %swap3A_181 = vector.shape_cast %swap3A_180 : vector<1x128x8xi32> to vector<128x8xi32>
      %swap3A_182 = vector.shape_cast %select_n3A_176 : vector<128x8xi32> to vector<1x128x8xi32>
      tpu.vector_store %arg11[%swap3A_177, %swap3A_178, %swap3A_179], %swap3A_182 {strides = array<i32>} : memref<1x128x8xi32, #tpu.memory_space<vmem>>, vector<1x128x8xi32>,
    } else {
    }
    return
  }
  func.func @transform_0(%arg0: i32) -> (i32, i32) {
    %c0_i32 = arith.constant 0 : i32
    %c0_i32_0 = arith.constant 0 : i32
    %c0_i32_1 = arith.constant 0 : i32
    return %c0_i32, %c0_i32_0 : i32, i32
  }
  func.func @transform_1(%arg0: i32) -> (i32, i32) {
    %c0_i32 = arith.constant 0 : i32
    %c0_i32_0 = arith.constant 0 : i32
    %c0_i32_1 = arith.constant 0 : i32
    return %c0_i32, %c0_i32_0 : i32, i32
  }
  func.func @transform_2(%arg0: i32) -> (i32, i32) {
    %c0_i32 = arith.constant 0 : i32
    %c0_i32_0 = arith.constant 0 : i32
    %c0_i32_1 = arith.constant 0 : i32
    return %c0_i32, %c0_i32_0 : i32, i32
  }
  func.func @transform_3(%arg0: i32) -> i32 {
    %c0_i32 = arith.constant 0 : i32
    %c0_i32_0 = arith.constant 0 : i32
    return %c0_i32 : i32
  }
  func.func @transform_4(%arg0: i32) -> i32 {
    %c0_i32 = arith.constant 0 : i32
    %c0_i32_0 = arith.constant 0 : i32
    return %c0_i32 : i32
  }
  func.func @transform_5(%arg0: i32) -> i32 {
    %c0_i32 = arith.constant 0 : i32
    %c0_i32_0 = arith.constant 0 : i32
    return %c0_i32 : i32
  }
  func.func @transform_6(%arg0: i32) -> (i32, i32) {
    %c0_i32 = arith.constant 0 : i32
    %c0_i32_0 = arith.constant 0 : i32
    %c0_i32_1 = arith.constant 0 : i32
    return %c0_i32, %c0_i32_0 : i32, i32
  }
  func.func @transform_7(%arg0: i32) -> (i32, i32) {
    %c0_i32 = arith.constant 0 : i32
    %c0_i32_0 = arith.constant 0 : i32
    %c0_i32_1 = arith.constant 0 : i32
    return %c0_i32, %c0_i32_0 : i32, i32
  }
  func.func @transform_8(%arg0: i32) -> (i32, i32) {
    %c0_i32 = arith.constant 0 : i32
    %c0_i32_0 = arith.constant 0 : i32
    %c0_i32_1 = arith.constant 0 : i32
    return %c0_i32, %c0_i32_0 : i32, i32
  }
  func.func @transform_9(%arg0: i32) -> i32 {
    %c0_i32 = arith.constant 0 : i32
    %c0_i32_0 = arith.constant 0 : i32
    return %c0_i32 : i32
  }
  func.func @transform_10(%arg0: i32) -> (i32, i32, i32) {
    %sub3A = arith.constant 1 : i32
    %sub3A_0 = arith.subi %arg0, %sub3A : i32
    %max3A = arith.constant 0 : i32
    %max3A_1 = arith.maxsi %sub3A_0, %max3A : i32
    %c0_i32 = arith.constant 0 : i32
    %c0_i32_2 = arith.constant 0 : i32
    %c0_i32_3 = arith.constant 0 : i32
    return %max3A_1, %c0_i32, %c0_i32_2 : i32, i32, i32
  }
}

</mosaic_0001>

<sc_bundles>
// kernel: kernel.4.cloned.1.call-start
scs
__scs_entry_jumppad:
0x0: {  	(pc) =	sbr.rel $0x88, $3  }
0x1: {  	(tag) =	ssettag $0x0;
	lr =	simm.s32 $0x1  }
0x2: {  	[smem:$0x3FA0] =	sst lr;
	_ =	strace $0xD0000000  }
0x3: {  	_ = 	snop  }
0x4: {  	_ = 	snop  }
0x5: {  	_ = 	snop  }
0x6: {  	_ = 	snop  }
0x7: {  	_ = 	snop  }
__scs_overlays_trampoline_lowered:
0x8: {  	[smem:$0x3FAF] =	sst s0  }
0x9: {  	[smem:$0x3FB0] =	sst s1  }
0xa: {  	[smem:$0x3FB1] =	sst s2  }
0xb: {  	[smem:$0x3FB2] =	sst s3  }
0xc: {  	[smem:$0x3FB3] =	sst s4  }
0xd: {  	[smem:$0x3FB4] =	sst s5  }
0xe: {  	[smem:$0x3FB5] =	sst s6  }
0xf: {  	[smem:$0x3FB6] =	sst s7  }
0x10: {  	[smem:$0x3FB7] =	sst s8  }
0x11: {  	[smem:$0x3FB8] =	sst s9;
	s0 =	simm.s32 @!p0 $0x0  }
0x12: {  	s1 =	sld [smem:$0x3F9E];
	s0 =	simm.s32 @p0 $0x1  }
0x13: {  	[smem:$0x3FB9] =	sst s0;
	s0 =	simm.s32 @!p1 $0x0  }
0x14: {  	s2 =	sld [smem:$0x3F9D];
	s0 =	simm.s32 @p1 $0x1  }
0x15: {  	[smem:$0x3FBA] =	sst s0;
	s0 =	simm.s32 @!p2 $0x0  }
0x16: {  	s3 =	sld [smem:$0x3FDB];
	s0 =	simm.s32 @p2 $0x1  }
0x17: {  	s4 =	simm.s32 $0x1BF5;
	[smem:$0x3FBC] =	sst s0  }
0x18: {  	s0 =	sld [smem:$0x3F9F];
	_ =	swait.ge [sflag:s4], $0x0  }
0x19: {  	s7 =	sld [smem:$0x3FA0]  }
0x1a: {  	s8 =	sadd.s32 $0xFFFFE003, lr  }
0x1b: {  	s9 =	sadd.s32 $0xFFFFFEF7, lr;
	s5 =	simm.s32 $0xFFFFFFFF;
	p2 =	slt.u32 s8, $0xFFFFF086  }
0x1c: {  	p1 =	slt.u32 s9, $0xF7A;
	s5 =	simm.s32 @!p2 $0x0  }
0x1d: {  	s5 =	simm.s32 @p1 $0x1;
	p0 =	seq.s32 s7, s2  }
0x1e: {  	s7 =	smul.u32 @!p0 $0xF7A, s2;
	p2 =	seq.s32 @!p0 s5, $0x0  }
0x1f: {  	s9 =	smul.u32 $0xF7A, s1;
	s8 =	simm.s32 @!p0 $0x1BF5;
	p2 =	por !p2, p0  }
0x20: {  	[sflag:s8] =	ssyncset.s32 @!p0 $0xFFFFF086;
	s6 =	sadd.s32 @!p0 s3, s7;
	s7 =	simm.s32 @!p0 $0x108  }
0x21: {  	s3 =	sadd.s32 s3, s9;
	s6 =	sadd.s32 @!p0 $0x88, s6;
	s7 =	simm.s32 @p2 $0x1082  }
0x22: {  	[simem:s7], [sflag:s8] =	dma.local @!p0 [hbm:s6], $0xF7A  }
0x23: {  	s9 =	sor.u32 $0xD0000000, s2;
	s6 =	simm.s32 $0x108;
	_ =	swait.ge @!p0 [sflag:s8], $0x0  }
0x24: {  	s3 =	sadd.s32 $0x88, s3;
	s6 =	simm.s32 @!p1 $0x1082;
	[sflag:s4] =	ssyncset.s32 $0xFFFFF086  }
0x25: {  	[simem:s6], [sflag:s4] =	dma.local [hbm:s3], $0xF7A  }
0x26: {  	[smem:$0x3FA0] =	sst s1;
	(tag) =	ssettag s2;
	_ =	strace s9  }
0x27: {  	s1 =	sld [smem:$0x3FB0]  }
0x28: {  	s2 =	sld [smem:$0x3FB1]  }
0x29: {  	s4 =	sld [smem:$0x3FB3]  }
0x2a: {  	p0 =	seq.s32 s5, $0x0;
	s5 =	sld [smem:$0x3FB4]  }
0x2b: {  	s6 =	sld [smem:$0x3FB5]  }
0x2c: {  	s7 =	sld [smem:$0x3FB6]  }
0x2d: {  	s3 =	simm.s32 $0x108;
	s8 =	sld [smem:$0x3FB7]  }
0x2e: {  	s3 =	simm.s32 @!p0 $0x1082;
	s9 =	sld [smem:$0x3FB8]  }
0x2f: {  	lr =	sadd.s32 s0, s3;
	s0 =	sld [smem:$0x3FAF]  }
0x30: {  	s3 =	sld [smem:$0x3FB2]  }
0x31: {  	[smem:$0x3FBB] =	sst s10  }
0x32: {  	s10 =	sld [smem:$0x3FB9];
	_ =	sdelay $0x3  }
0x33: {  	p0 =	seq.s32 s10, $0x1;
	s10 =	sld [smem:$0x3FBB];
	_ =	sdelay $0x3  }
0x34: {  	[smem:$0x3FBB] =	sst s10  }
0x35: {  	s10 =	sld [smem:$0x3FBA];
	_ =	sdelay $0x3  }
0x36: {  	p1 =	seq.s32 s10, $0x1;
	s10 =	sld [smem:$0x3FBB];
	_ =	sdelay $0x3  }
0x37: {  	[smem:$0x3FBB] =	sst s10  }
0x38: {  	s10 =	sld [smem:$0x3FBC]  }
0x39: {  	_ = 	snop;
	(pc) =	sbr.ind lr, $3  }
0x3a: {  	_ = 	snop  }
0x3b: {  	_ = 	snop  }
0x3c: {  	p2 =	seq.s32 s10, $0x1;
	s10 =	sld [smem:$0x3FBB]  }
0x3d: {  	_ =	shalt  }
0x3e: {  	_ =	shalt  }
0x3f: {  	_ =	shalt  }
0x40: {  	_ =	shalt  }
0x41: {  	_ =	shalt  }
0x42: {  	_ =	shalt  }
0x43: {  	_ =	shalt  }
0x44: {  	_ =	shalt  }
0x45: {  	_ =	shalt  }
0x46: {  	_ =	shalt  }
0x47: {  	_ =	shalt  }
0x48: {  	_ =	shalt  }
0x49: {  	_ =	shalt  }
0x4a: {  	_ =	shalt  }
0x4b: {  	_ =	shalt  }
0x4c: {  	_ =	shalt  }
0x4d: {  	_ =	shalt  }
0x4e: {  	_ =	shalt  }
0x4f: {  	_ =	shalt  }
0x50: {  	_ =	shalt  }
0x51: {  	_ =	shalt  }
0x52: {  	_ =	shalt  }
0x53: {  	_ =	shalt  }
0x54: {  	_ =	shalt  }
0x55: {  	_ =	shalt  }
0x56: {  	_ =	shalt  }
0x57: {  	_ =	shalt  }
0x58: {  	_ =	shalt  }
0x59: {  	_ =	shalt  }
0x5a: {  	_ =	shalt  }
0x5b: {  	_ =	shalt  }
0x5c: {  	_ =	shalt  }
0x5d: {  	_ =	shalt  }
0x5e: {  	_ =	shalt  }
0x5f: {  	_ =	shalt  }
0x60: {  	_ =	shalt  }
0x61: {  	_ =	shalt  }
0x62: {  	_ =	shalt  }
0x63: {  	_ =	shalt  }
0x64: {  	_ =	shalt  }
0x65: {  	_ =	shalt  }
0x66: {  	_ =	shalt  }
0x67: {  	_ =	shalt  }
0x68: {  	_ =	shalt  }
0x69: {  	_ =	shalt  }
0x6a: {  	_ =	shalt  }
0x6b: {  	_ =	shalt  }
0x6c: {  	_ =	shalt  }
0x6d: {  	_ =	shalt  }
0x6e: {  	_ =	shalt  }
0x6f: {  	_ =	shalt  }
0x70: {  	_ =	shalt  }
0x71: {  	_ =	shalt  }
0x72: {  	_ =	shalt  }
0x73: {  	_ =	shalt  }
0x74: {  	_ =	shalt  }
0x75: {  	_ =	shalt  }
0x76: {  	_ =	shalt  }
0x77: {  	_ =	shalt  }
0x78: {  	_ =	shalt  }
0x79: {  	_ =	shalt  }
0x7a: {  	_ =	shalt  }
0x7b: {  	_ =	shalt  }
0x7c: {  	_ =	shalt  }
0x7d: {  	_ =	shalt  }
0x7e: {  	_ =	shalt  }
0x7f: {  	_ =	shalt  }
0x80: {  	_ =	shalt  }
0x81: {  	_ =	shalt  }
0x82: {  	_ =	shalt  }
0x83: {  	_ =	shalt  }
0x84: {  	_ =	shalt  }
0x85: {  	_ =	shalt  }
0x86: {  	_ =	shalt  }
0x87: {  	_ =	shalt  }
.Lfunc_end0:
.L_simem_size_0:
called_computation_lowered:
.L_overlay_start_0:
0x88: {  	s2 =	sld [smem:$0x3FD9]  }
0x89: {  	s3 =	sld [smem:$0x3FFE];
	_ =	sdelay $0x1  }
0x8a: {  	s1 =	srdreg.scid  }
0x8b: {  	s0 =	sand.u32 $0x1, s1  }
0x8c: {  	s14 =	sshll.u32 s0, $0xA;
	s2 =	sadd.s32 s3, s2  }
0x8d: {  	s2 =	sadd.s32 s2, s14  }
0x8e: {  	[smem:$0x3FC7] =	sst s2  }
0x8f: {  	_ = 	snop  }
0x90: {  	s2 =	sld [smem:$0x3FD0];
	_ =	sdelay $0x2  }
0x91: {  	s15 =	simm.s32 $0xA;
	s4 =	simm.s32 $0x10  }
0x92: {  	[smem:s4], [sflag:s15] =	dma.local [hbm:s2], $0x1  }
0x93: {  	_ =	swait.eq [sflag:s15], $0x1  }
0x94: {  	[sflag:s15] =	ssyncset.done $0x0  }
0x95: {  	s16 =	sld [smem:$0x10];
	[sflag:s15] =	ssyncadd.s32 $0xFFFFFFFF  }
0x96: {  	s17 =	sld [smem:$0x11];
	(tm) =	ssettm $0x1  }
0x97: {  	s18 =	sld [smem:$0x3FFB];
	_ =	sdelay $0x3  }
0x98: {  	_ =	strace s18  }
0x99: {  	s4 =	sld [smem:$0x3FFC];
	_ =	sdelay $0x3  }
0x9a: {  	_ =	strace s4  }
0x9b: {  	s4 =	sld [smem:$0x3FFD];
	_ =	sdelay $0x3  }
0x9c: {  	_ =	strace s4  }
0x9d: {  	_ =	strace $0x8FFFFFFF  }
0x9e: {  	s19 =	sld [smem:$0x3FDB];
	_ =	sdelay $0x1  }
0x9f: {  	s5 =	simm.s32 $_scs_section_size  }
0xa0: {  	s6 =	simm.s32 $_size__tile_overlayer_lowered;
	s7 =	simm.s32 $_tile_overlayer_lowered  }
0xa1: {  	s22 =	simm.s32 $0x1BFF;
	s21 =	sshll.u32 s7, $0x1;
	s4 =	sadd.s32 s5, s19  }
0xa2: {  	s8 =	simm.s32 $0x0;
	s20 =	sshll.u32 s6, $0x1;
	s6 =	sadd.s32 s21, s4  }
0xa3: {  	[timem:s8], [sflag:s22] =	dma.local [hbm:s6], s20  }
0xa4: {  	_ =	swait.ge [sflag:s22], s20  }
0xa5: {  	s5 =	ssub.s32 $0x0, s20;
	[sflag:s22] =	ssyncset.done $0x0  }
0xa6: {  	[sflag:s22] =	ssyncadd.s32 s5;
	_ =	sdelay $0x1  }
0xa7: {  	s23 =	simm.s32 $0x1B8B  }
0xa8: {  	_ =	swait.ge [sflag:s23], $0x1  }
0xa9: {  	[sflag:s23] =	ssyncset.done $0x0  }
0xaa: {  	s25 =	simm.s32 $0x1B8E;
	s24 =	sld [smem:$0x3FFE];
	[sflag:s23] =	ssyncadd.s32 $0xFFFFFFFF  }
0xab: {  	s26 =	simm.s32 $execute0_lowered;
	[smem:$0x3FD2] =	sst s25  }
0xac: {  	s6 =	sshll.u32 s26, $0x1;
	_ =	strace $0x80000046;
	[dreg:$0x1] =	wrdreg $0xFFFFFFFF  }
0xad: {  	s28 =	simm.s32 $_size_execute0_lowered;
	s4 =	sadd.s32 s4, s6;
	[dreg:$0x0] =	wrdreg $0x0  }
0xae: {  	s6 =	sshll.u32 s28, $0x1;
	[dreg:$0x2] =	wrdreg s4  }
0xaf: {  	[dreg:$0x3] =	wrdreg s6  }
0xb0: {  	[dreg:$0x4] =	wrdreg $0xC0  }
0xb1: {  	_ =	task [dreg:s8], $0x5FFFF  }
0xb2: {  	[dreg:$0x1] =	wrdreg $0xFFFFFFFF  }
0xb3: {  	[dreg:$0x0] =	wrdreg $0x60  }
0xb4: {  	[dreg:$0x2] =	wrdreg s16  }
0xb5: {  	[dreg:$0x3] =	wrdreg s24  }
0xb6: {  	[dreg:$0x4] =	wrdreg s17  }
0xb7: {  	[dreg:$0x5] =	wrdreg $0x9  }
0xb8: {  	_ =	task.clear_ibuf [dreg:s8], $0x6FFFF;
	_ =	strace $0x90000046  }
0xb9: {  	s29 =	simm.s32 $0x9;
	_ =	strace $0x80000048  }
0xba: {  	_ =	swait.ge [sflag:s29], $0x1  }
0xbb: {  	[sflag:s29] =	ssyncadd.s32 $0xFFFFFFFF  }
0xbc: {  	_ =	strace $0x90000048  }
0xbd: {  	_ =	sfence  }
0xbe: {  	s30 =	sld [smem:$0x0];
	_ =	sdelay $0x2  }
0xbf: {  	s31 =	sshll.u32 s1, $0xD;
	s1 =	sshrl.u32 s1, $0x2  }
0xc0: {  	s3 =	sand.u32 $0x4000, s31;
	s1 =	sadd.s32 s1, s30  }
0xc1: {  	s0 =	sor.u32 s3, s0;
	s1 =	sshll.u32 s1, $0x11  }
0xc2: {  	s0 =	sor.u32 s1, s0  }
0xc3: {  	s0 =	sadd.s32 $0x8F2B, s0  }
0xc4: {  	[sflag:s0] =	ssyncadd.remote.s32 $0x1  }
0xc5: {  	_ =	sfence.sel $0xFFFF  }
0xc6: {  	[dreg:$0x0] =	wrdreg $0xFFFFFFFF;
	(pc) =	sbr.abs _section_cstart, $3  }
0xc7: {  	[dreg:$0x1] =	wrdreg $0xFFFFFFFF  }
0xc8: {  	_ =	task.clear_ibuf [dreg:s8], $0x2FFFF;
	_ =	strace $0x9FFFFFFF  }
0xc9: {  	(tm) =	ssettm $0x7FFFFFFF  }
tec
execute0_lowered:
.L_overlay_start_1:
0x0: {  	(tag) =	ssettag $0x1  }
0x1: {  	s5 =	rddreg [dreg:$0x0]  }
0x2: {  	s1 =	srdreg.scid;
	s0 =	stileid.u32  }
0x3: {  	s12 =	rddreg [dreg:$0x1];
	s24 =	sand.u32 $0x1, s1;
	s31 =	sshll.u32 s0, $0x1  }
0x4: {  	s2 =	rddreg [dreg:$0x2];
	s4 =	sor.u32 s24, s31  }
0x5: {  	s3 =	simm.s32 $0x0;
	s1 =	rddreg [dreg:$0x3];
	s6 =	sshll.u32 s4, $0x7  }
0x6: {  	[smem:$0x7FF] =	sst s3;
	s6 =	sadd.s32 $0xFFFFF980, s6  }
0x7: {  	s17 =	sadd.s32 $0x2A00, s12;
	s18 =	sshll.u32 s4, $0x4;
	s13 =	sshrl.u32 s6, $0x3  }
0x8: {  	p0 =	slt.u32 s4, $0xD;
	s5 =	sadd.s32 s5, s18;
	s4 =	sadd.s32 s17, s13  }
0x9: {  	_ =	strace $0x80000047;
	s4 =	smov.u32 @p0 s5;
	s5 =	simm.s32 $0x2  }
0xa: {  	[tilespmem:s3], [sflag:$0x2] =	stream.linear.gather [hbm4b:s4+s3], $0x80, $0x38;
	[tilespmem:$0x100] =	vst v63  }
0xb: {  	_ =	swait.ge [sflag:s5], $0x80  }
0xc: {  	[sflag:s5] =	ssyncset.done $0x0  }
0xd: {  	s7 =	simm.s32 $0x1;
	s6 =	simm.s32 $0x80;
	[sflag:s5] =	ssyncadd.s32 $0xFFFFFF80  }
0xe: {  	[tilespmem:s6], [sflag:$0x1] =	stream.indirect.gather [hbm4b:s2+s6], $0x1, s3, s6, $0xb8;
	[tilespmem:$0x100] =	vst v63  }
0xf: {  	s22 =	sadd.s32 $0x3600, s12;
	s14 =	sadd.s32 s18, s12;
	_ =	swait.ge [sflag:s7], $0x80  }
0x10: {  	s9 =	sadd.s32 $0x3000, s14;
	s8 =	sadd.s32 s22, s13;
	[sflag:s7] =	ssyncset.done $0x0  }
0x11: {  	s8 =	smov.u32 @p0 s9;
	[sflag:s7] =	ssyncadd.s32 $0xFFFFFF80  }
0x12: {  	[hbm4b:s8+s3] =	stream.linear.scatter [tilespmem:s6], [sflag:$0x2], $0x80, $0x38;
	[tilespmem:$0x100] =	vst v63  }
0x13: {  	_ =	swait.ge [sflag:s5], $0x80  }
0x14: {  	[sflag:s5] =	ssyncset.done $0x0  }
0x15: {  	s9 =	sadd.s32 $0x2200, s12;
	[sflag:s5] =	ssyncadd.s32 $0xFFFFFF80  }
0x16: {  	[tilespmem:s6], [sflag:$0x1] =	stream.indirect.gather [hbm4b:s9+s6], $0x1, s3, s6, $0xb8;
	[tilespmem:$0x100] =	vst v63  }
0x17: {  	s23 =	sadd.s32 $0x3C00, s12;
	_ =	swait.ge [sflag:s7], $0x80  }
0x18: {  	s11 =	sadd.s32 $0x3200, s14;
	s10 =	sadd.s32 s23, s13;
	[sflag:s7] =	ssyncset.done $0x0  }
0x19: {  	s10 =	smov.u32 @p0 s11;
	[sflag:s7] =	ssyncadd.s32 $0xFFFFFF80  }
0x1a: {  	[hbm4b:s10+s3] =	stream.linear.scatter [tilespmem:s6], [sflag:$0x2], $0x80, $0x38;
	[tilespmem:$0x100] =	vst v63  }
0x1b: {  	_ =	swait.ge [sflag:s5], $0x80  }
0x1c: {  	[sflag:s5] =	ssyncset.done $0x0  }
0x1d: {  	s11 =	sadd.s32 $0x1A00, s12;
	[sflag:s5] =	ssyncadd.s32 $0xFFFFFF80  }
0x1e: {  	[tilespmem:s6], [sflag:$0x1] =	stream.indirect.gather [hbm4b:s11+s6], $0x1, s3, s6, $0xb8;
	[tilespmem:$0x100] =	vst v63  }
0x1f: {  	s25 =	sadd.s32 $0x4200, s12;
	_ =	swait.ge [sflag:s7], $0x80  }
0x20: {  	s12 =	sadd.s32 s25, s13;
	s13 =	sadd.s32 $0x3400, s14;
	[sflag:s7] =	ssyncset.done $0x0  }
0x21: {  	s12 =	smov.u32 @p0 s13;
	[sflag:s7] =	ssyncadd.s32 $0xFFFFFF80  }
0x22: {  	[hbm4b:s12+s3] =	stream.linear.scatter [tilespmem:s6], [sflag:$0x2], $0x80, $0x38;
	[tilespmem:$0x100] =	vst v63  }
0x23: {  	_ =	swait.ge [sflag:s5], $0x80  }
0x24: {  	s16 =	sadd.s32 $0x130, s18;
	[sflag:s5] =	ssyncset.done $0x0  }
0x25: {  	s13 =	sadd.s32 s17, s16;
	[sflag:s5] =	ssyncadd.s32 $0xFFFFFF80  }
0x26: {  	[tilespmem:s3], [sflag:$0x2] =	stream.linear.gather [hbm4b:s13+s3], $0x80, $0x38;
	[tilespmem:$0x100] =	vst v63  }
0x27: {  	_ =	swait.ge [sflag:s5], $0x80  }
0x28: {  	[sflag:s5] =	ssyncset.done $0x0  }
0x29: {  	[sflag:s5] =	ssyncadd.s32 $0xFFFFFF80  }
0x2a: {  	[tilespmem:s6], [sflag:$0x1] =	stream.indirect.gather [hbm4b:s2+s6], $0x1, s3, s6, $0xb8;
	[tilespmem:$0x100] =	vst v63  }
0x2b: {  	_ =	swait.ge [sflag:s7], $0x80  }
0x2c: {  	[sflag:s7] =	ssyncset.done $0x0  }
0x2d: {  	s14 =	sadd.s32 s22, s16;
	[sflag:s7] =	ssyncadd.s32 $0xFFFFFF80  }
0x2e: {  	[hbm4b:s14+s3] =	stream.linear.scatter [tilespmem:s6], [sflag:$0x2], $0x80, $0x38;
	[tilespmem:$0x100] =	vst v63  }
0x2f: {  	_ =	swait.ge [sflag:s5], $0x80  }
0x30: {  	[sflag:s5] =	ssyncset.done $0x0  }
0x31: {  	[sflag:s5] =	ssyncadd.s32 $0xFFFFFF80  }
0x32: {  	[tilespmem:s6], [sflag:$0x1] =	stream.indirect.gather [hbm4b:s9+s6], $0x1, s3, s6, $0xb8;
	[tilespmem:$0x100] =	vst v63  }
0x33: {  	_ =	swait.ge [sflag:s7], $0x80  }
0x34: {  	[sflag:s7] =	ssyncset.done $0x0  }
0x35: {  	s15 =	sadd.s32 s23, s16;
	[sflag:s7] =	ssyncadd.s32 $0xFFFFFF80  }
0x36: {  	[hbm4b:s15+s3] =	stream.linear.scatter [tilespmem:s6], [sflag:$0x2], $0x80, $0x38;
	[tilespmem:$0x100] =	vst v63  }
0x37: {  	_ =	swait.ge [sflag:s5], $0x80  }
0x38: {  	[sflag:s5] =	ssyncset.done $0x0  }
0x39: {  	[sflag:s5] =	ssyncadd.s32 $0xFFFFFF80  }
0x3a: {  	[tilespmem:s6], [sflag:$0x1] =	stream.indirect.gather [hbm4b:s11+s6], $0x1, s3, s6, $0xb8;
	[tilespmem:$0x100] =	vst v63  }
0x3b: {  	_ =	swait.ge [sflag:s7], $0x80  }
0x3c: {  	[sflag:s7] =	ssyncset.done $0x0  }
0x3d: {  	s16 =	sadd.s32 s25, s16;
	[sflag:s7] =	ssyncadd.s32 $0xFFFFFF80  }
0x3e: {  	[hbm4b:s16+s3] =	stream.linear.scatter [tilespmem:s6], [sflag:$0x2], $0x80, $0x38;
	[tilespmem:$0x100] =	vst v63  }
0x3f: {  	s26 =	sadd.s32 $0x330, s18;
	_ =	swait.ge [sflag:s5], $0x80  }
0x40: {  	s17 =	sadd.s32 s17, s26;
	p0 =	sgt.u32 s0, $0x6;
	[sflag:s5] =	ssyncset.done $0x0  }
0x41: {  	s19 =	simm.s32 @!p0 $0x0;
	s18 =	simm.s32 @!p0 $0x2;
	[sflag:s5] =	ssyncadd.s32 $0xFFFFFF80  }
0x42: {  	[tilespmem:s19], [sflag:$0x2] =	stream.linear.gather @!p0 [hbm4b:s17+s19], $0x80, $0x38;
	[tilespmem:$0x100] =	vst v63  }
0x43: {  	_ =	swait.ge @!p0 [sflag:s18], $0x80  }
0x44: {  	[sflag:s18] =	ssyncset.done @!p0 $0x0  }
0x45: {  	s20 =	simm.s32 @!p0 $0x80;
	s21 =	simm.s32 @!p0 $0x1;
	[sflag:s18] =	ssyncadd.s32 @!p0 $0xFFFFFF80  }
0x46: {  	[tilespmem:s20], [sflag:$0x1] =	stream.indirect.gather @!p0 [hbm4b:s2+s20], $0x1, s19, s20, $0xb8;
	[tilespmem:$0x100] =	vst v63  }
0x47: {  	_ =	swait.ge @!p0 [sflag:s21], $0x80  }
0x48: {  	[sflag:s21] =	ssyncset.done @!p0 $0x0  }
0x49: {  	s22 =	sadd.s32 s22, s26;
	[sflag:s21] =	ssyncadd.s32 @!p0 $0xFFFFFF80  }
0x4a: {  	[hbm4b:s22+s19] =	stream.linear.scatter @!p0 [tilespmem:s20], [sflag:$0x2], $0x80, $0x38;
	[tilespmem:$0x100] =	vst v63  }
0x4b: {  	_ =	swait.ge @!p0 [sflag:s18], $0x80  }
0x4c: {  	[sflag:s18] =	ssyncset.done @!p0 $0x0  }
0x4d: {  	[sflag:s18] =	ssyncadd.s32 @!p0 $0xFFFFFF80  }
0x4e: {  	[tilespmem:s20], [sflag:$0x1] =	stream.indirect.gather @!p0 [hbm4b:s9+s20], $0x1, s19, s20, $0xb8;
	[tilespmem:$0x100] =	vst v63  }
0x4f: {  	_ =	swait.ge @!p0 [sflag:s21], $0x80  }
0x50: {  	s24 =	ssub.s32 $0x2, s24;
	[sflag:s21] =	ssyncset.done @!p0 $0x0  }
0x51: {  	s28 =	sshrl.u32 s24, $0x1;
	s23 =	sadd.s32 s23, s26;
	[sflag:s21] =	ssyncadd.s32 @!p0 $0xFFFFFF80  }
0x52: {  	[hbm4b:s23+s19] =	stream.linear.scatter @!p0 [tilespmem:s20], [sflag:$0x2], $0x80, $0x38;
	[tilespmem:$0x100] =	vst v63  }
0x53: {  	s24 =	ssub.s32 s24, s28;
	_ =	swait.ge @!p0 [sflag:s18], $0x80  }
0x54: {  	s28 =	smax.u32 s24, $0x1;
	[sflag:s18] =	ssyncset.done @!p0 $0x0  }
0x55: {  	s24 =	sadd.s32 s25, s26;
	s25 =	sadd.s32 $0xFFFFFFFF, s28;
	[sflag:s18] =	ssyncadd.s32 @!p0 $0xFFFFFF80  }
0x56: {  	[tilespmem:s20], [sflag:$0x1] =	stream.indirect.gather @!p0 [hbm4b:s11+s20], $0x1, s19, s20, $0xb8;
	[tilespmem:$0x100] =	vst v63  }
0x57: {  	p1 =	sne.s32 s25, $0x0;
	_ =	swait.ge @!p0 [sflag:s21], $0x80  }
.Ltmp0:
0x58: {  	[sflag:s21] =	ssyncset.done @!p0 $0x0;
	(pc) =	sbr.rel @!p1 .LBB2_2-.Ltmp0, $4  }
0x59: {  	[sflag:s21] =	ssyncadd.s32 @!p0 $0xFFFFFF80  }
0x5a: {  	[hbm4b:s24+s19] =	stream.linear.scatter @!p0 [tilespmem:s20], [sflag:$0x2], $0x80, $0x38;
	[tilespmem:$0x100] =	vst v63  }
0x5b: {  	_ =	swait.ge @!p0 [sflag:s18], $0x80  }
0x5c: {  	[sflag:s18] =	ssyncset.done @!p0 $0x0  }
.LBB2_1:
0x5d: {  	s25 =	sadd.s32 $0xFFFFFFFF, s25;
	[sflag:s18] =	ssyncadd.s32 @!p0 $0xFFFFFF80  }
0x5e: {  	[tilespmem:s3], [sflag:$0x2] =	stream.linear.gather [hbm4b:s4+s3], $0x80, $0x38;
	[tilespmem:$0x100] =	vst v63  }
0x5f: {  	p1 =	sne.s32 s25, $0x0;
	_ =	swait.ge [sflag:s5], $0x80  }
0x60: {  	[sflag:s5] =	ssyncset.done $0x0  }
0x61: {  	[sflag:s5] =	ssyncadd.s32 $0xFFFFFF80  }
0x62: {  	[tilespmem:s6], [sflag:$0x1] =	stream.indirect.gather [hbm4b:s2+s6], $0x1, s3, s6, $0xb8;
	[tilespmem:$0x100] =	vst v63  }
0x63: {  	_ =	swait.ge [sflag:s7], $0x80  }
0x64: {  	[sflag:s7] =	ssyncset.done $0x0  }
0x65: {  	[sflag:s7] =	ssyncadd.s32 $0xFFFFFF80  }
0x66: {  	[hbm4b:s8+s3] =	stream.linear.scatter [tilespmem:s6], [sflag:$0x2], $0x80, $0x38;
	[tilespmem:$0x100] =	vst v63  }
0x67: {  	_ =	swait.ge [sflag:s5], $0x80  }
0x68: {  	[sflag:s5] =	ssyncset.done $0x0  }
0x69: {  	[sflag:s5] =	ssyncadd.s32 $0xFFFFFF80  }
0x6a: {  	[tilespmem:s6], [sflag:$0x1] =	stream.indirect.gather [hbm4b:s9+s6], $0x1, s3, s6, $0xb8;
	[tilespmem:$0x100] =	vst v63  }
0x6b: {  	_ =	swait.ge [sflag:s7], $0x80  }
0x6c: {  	[sflag:s7] =	ssyncset.done $0x0  }
0x6d: {  	[sflag:s7] =	ssyncadd.s32 $0xFFFFFF80  }
0x6e: {  	[hbm4b:s10+s3] =	stream.linear.scatter [tilespmem:s6], [sflag:$0x2], $0x80, $0x38;
	[tilespmem:$0x100] =	vst v63  }
0x6f: {  	_ =	swait.ge [sflag:s5], $0x80  }
0x70: {  	[sflag:s5] =	ssyncset.done $0x0  }
0x71: {  	[sflag:s5] =	ssyncadd.s32 $0xFFFFFF80  }
0x72: {  	[tilespmem:s6], [sflag:$0x1] =	stream.indirect.gather [hbm4b:s11+s6], $0x1, s3, s6, $0xb8;
	[tilespmem:$0x100] =	vst v63  }
0x73: {  	_ =	swait.ge [sflag:s7], $0x80  }
0x74: {  	[sflag:s7] =	ssyncset.done $0x0  }
0x75: {  	[sflag:s7] =	ssyncadd.s32 $0xFFFFFF80  }
0x76: {  	[hbm4b:s12+s3] =	stream.linear.scatter [tilespmem:s6], [sflag:$0x2], $0x80, $0x38;
	[tilespmem:$0x100] =	vst v63  }
0x77: {  	_ =	swait.ge [sflag:s5], $0x80  }
0x78: {  	[sflag:s5] =	ssyncset.done $0x0  }
0x79: {  	[sflag:s5] =	ssyncadd.s32 $0xFFFFFF80  }
0x7a: {  	[tilespmem:s3], [sflag:$0x2] =	stream.linear.gather [hbm4b:s13+s3], $0x80, $0x38;
	[tilespmem:$0x100] =	vst v63  }
0x7b: {  	_ =	swait.ge [sflag:s5], $0x80  }
0x7c: {  	[sflag:s5] =	ssyncset.done $0x0  }
0x7d: {  	[sflag:s5] =	ssyncadd.s32 $0xFFFFFF80  }
0x7e: {  	[tilespmem:s6], [sflag:$0x1] =	stream.indirect.gather [hbm4b:s2+s6], $0x1, s3, s6, $0xb8;
	[tilespmem:$0x100] =	vst v63  }
0x7f: {  	_ =	swait.ge [sflag:s7], $0x80  }
0x80: {  	[sflag:s7] =	ssyncset.done $0x0  }
0x81: {  	[sflag:s7] =	ssyncadd.s32 $0xFFFFFF80  }
0x82: {  	[hbm4b:s14+s3] =	stream.linear.scatter [tilespmem:s6], [sflag:$0x2], $0x80, $0x38;
	[tilespmem:$0x100] =	vst v63  }
0x83: {  	_ =	swait.ge [sflag:s5], $0x80  }
0x84: {  	[sflag:s5] =	ssyncset.done $0x0  }
0x85: {  	[sflag:s5] =	ssyncadd.s32 $0xFFFFFF80  }
0x86: {  	[tilespmem:s6], [sflag:$0x1] =	stream.indirect.gather [hbm4b:s9+s6], $0x1, s3, s6, $0xb8;
	[tilespmem:$0x100] =	vst v63  }
0x87: {  	_ =	swait.ge [sflag:s7], $0x80  }
0x88: {  	[sflag:s7] =	ssyncset.done $0x0  }
0x89: {  	[sflag:s7] =	ssyncadd.s32 $0xFFFFFF80  }
0x8a: {  	[hbm4b:s15+s3] =	stream.linear.scatter [tilespmem:s6], [sflag:$0x2], $0x80, $0x38;
	[tilespmem:$0x100] =	vst v63  }
0x8b: {  	_ =	swait.ge [sflag:s5], $0x80  }
0x8c: {  	[sflag:s5] =	ssyncset.done $0x0  }
0x8d: {  	[sflag:s5] =	ssyncadd.s32 $0xFFFFFF80  }
0x8e: {  	[tilespmem:s6], [sflag:$0x1] =	stream.indirect.gather [hbm4b:s11+s6], $0x1, s3, s6, $0xb8;
	[tilespmem:$0x100] =	vst v63  }
0x8f: {  	_ =	swait.ge [sflag:s7], $0x80  }
0x90: {  	[sflag:s7] =	ssyncset.done $0x0  }
0x91: {  	[sflag:s7] =	ssyncadd.s32 $0xFFFFFF80  }
0x92: {  	[hbm4b:s16+s3] =	stream.linear.scatter [tilespmem:s6], [sflag:$0x2], $0x80, $0x38;
	[tilespmem:$0x100] =	vst v63  }
0x93: {  	_ =	swait.ge [sflag:s5], $0x80  }
0x94: {  	[sflag:s5] =	ssyncset.done $0x0  }
0x95: {  	[sflag:s5] =	ssyncadd.s32 $0xFFFFFF80  }
0x96: {  	[tilespmem:s19], [sflag:$0x2] =	stream.linear.gather @!p0 [hbm4b:s17+s19], $0x80, $0x38;
	[tilespmem:$0x100] =	vst v63  }
0x97: {  	_ =	swait.ge @!p0 [sflag:s18], $0x80  }
0x98: {  	[sflag:s18] =	ssyncset.done @!p0 $0x0  }
0x99: {  	[sflag:s18] =	ssyncadd.s32 @!p0 $0xFFFFFF80  }
0x9a: {  	[tilespmem:s20], [sflag:$0x1] =	stream.indirect.gather @!p0 [hbm4b:s2+s20], $0x1, s19, s20, $0xb8;
	[tilespmem:$0x100] =	vst v63  }
0x9b: {  	_ =	swait.ge @!p0 [sflag:s21], $0x80  }
0x9c: {  	[sflag:s21] =	ssyncset.done @!p0 $0x0  }
0x9d: {  	[sflag:s21] =	ssyncadd.s32 @!p0 $0xFFFFFF80  }
0x9e: {  	[hbm4b:s22+s19] =	stream.linear.scatter @!p0 [tilespmem:s20], [sflag:$0x2], $0x80, $0x38;
	[tilespmem:$0x100] =	vst v63  }
0x9f: {  	_ =	swait.ge @!p0 [sflag:s18], $0x80  }
0xa0: {  	[sflag:s18] =	ssyncset.done @!p0 $0x0  }
0xa1: {  	[sflag:s18] =	ssyncadd.s32 @!p0 $0xFFFFFF80  }
0xa2: {  	[tilespmem:s20], [sflag:$0x1] =	stream.indirect.gather @!p0 [hbm4b:s9+s20], $0x1, s19, s20, $0xb8;
	[tilespmem:$0x100] =	vst v63  }
0xa3: {  	_ =	swait.ge @!p0 [sflag:s21], $0x80  }
0xa4: {  	[sflag:s21] =	ssyncset.done @!p0 $0x0  }
0xa5: {  	[sflag:s21] =	ssyncadd.s32 @!p0 $0xFFFFFF80  }
0xa6: {  	[hbm4b:s23+s19] =	stream.linear.scatter @!p0 [tilespmem:s20], [sflag:$0x2], $0x80, $0x38;
	[tilespmem:$0x100] =	vst v63  }
0xa7: {  	_ =	swait.ge @!p0 [sflag:s18], $0x80  }
0xa8: {  	[sflag:s18] =	ssyncset.done @!p0 $0x0  }
0xa9: {  	[sflag:s18] =	ssyncadd.s32 @!p0 $0xFFFFFF80  }
0xaa: {  	[tilespmem:s20], [sflag:$0x1] =	stream.indirect.gather @!p0 [hbm4b:s11+s20], $0x1, s19, s20, $0xb8;
	[tilespmem:$0x100] =	vst v63  }
0xab: {  	_ =	swait.ge @!p0 [sflag:s21], $0x80  }
.Ltmp1:
0xac: {  	[sflag:s21] =	ssyncset.done @!p0 $0x0;
	(pc) =	sbr.rel @p1 .LBB2_1-.Ltmp1, $4  }
0xad: {  	[sflag:s21] =	ssyncadd.s32 @!p0 $0xFFFFFF80  }
0xae: {  	[hbm4b:s24+s19] =	stream.linear.scatter @!p0 [tilespmem:s20], [sflag:$0x2], $0x80, $0x38;
	[tilespmem:$0x100] =	vst v63  }
0xaf: {  	_ =	swait.ge @!p0 [sflag:s18], $0x80  }
0xb0: {  	[sflag:s18] =	ssyncset.done @!p0 $0x0  }
.LBB2_2:
0xb1: {  	[sflag:s18] =	ssyncadd.s32 @!p0 $0xFFFFFF80  }
0xb2: {  	_ =	sfence.sel $0x180000  }
0xb3: {  	[bflag:$0x0] =	sbarrier.arrive $0xFFFF  }
0xb4: {  	p0 =	sne.s32 s0, $0x0;
	_ =	strace $0x90000047  }
0xb5: {  	s0 =	sadd.s32 @!p0 $0x100000, s1;
	[bflag:$0x2] =	sbarrier.arrive $0xFFFF  }
0xb6: {  	[sflag:s0] =	ssyncadd.tile.s32 @!p0 $0x1;
	_ =	shalt  }
.Lfunc_end2:
_tile_overlayer_lowered:
.L_overlay_start_2:
0xb7: {  	(tag) =	ssettag $0x2  }
0xb8: {  	s0 =	rddreg [dreg:$0x0];
	s2 =	stileid.u32  }
0xb9: {  	s1 =	rddreg [dreg:$0x1];
	p0 =	sne.s32 s2, $0x0  }
0xba: {  	s3 =	rddreg [dreg:$0x2];
	[bflag:$0x3] =	sbarrier.arrive $0xFFFF;
	s2 =	simm.s32 @!p0 $0x1C02  }
0xbb: {  	[timem:s3], [sflag:s2] =	dma.local @!p0 [hbm:s0], s1  }
0xbc: {  	s0 =	simm.s32 @!p0 $0x2  }
0xbd: {  	_ =	swait.ge @!p0 [sflag:s0], s1  }
0xbe: {  	s1 =	ssub.s32 @!p0 $0x0, s1;
	[sflag:s0] =	ssyncset.done @!p0 $0x0  }
0xbf: {  	[sflag:s0] =	ssyncadd.s32 @!p0 s1  }
0xc0: {  	[bflag:$0x3] =	sbarrier.arrive $0xFFFF  }
0xc1: {  	_ =	shalt  }

</sc_bundles>
